<compile_context>
chip_gen: v7x
topology: tpu7x:2x2x1
jax: 0.10.2.dev20260603
libtpu: 0.0.44.dev20260713+nightly
codegen_flags: <defaults>
</compile_context>

<pallas_src>
import functools

import jax
import jax.numpy as jnp
from jax import lax
from jax.experimental import pallas as pl
from jax.experimental.pallas import tpu as pltpu
from jax.experimental.pallas import tpu_sc as plsc

SEQ_LEN = 2048
HIDDEN = 4096

NUM_CORES = 2
NUM_SUBCORES = 16
NUM_WORKERS = NUM_CORES * NUM_SUBCORES
ROWS_PER_WORKER = SEQ_LEN // NUM_WORKERS
CHUNK = 8
NUM_CHUNKS = ROWS_PER_WORKER // CHUNK
NBUF = 2

_MESH = plsc.VectorSubcoreMesh(core_axis_name="c", subcore_axis_name="s")


@functools.partial(
    pl.kernel,
    mesh=_MESH,
    out_type=jax.ShapeDtypeStruct((SEQ_LEN, HIDDEN), jnp.float32),
    scratch_types=[
        pltpu.VMEM((NUM_CHUNKS, CHUNK), jnp.int32),
    ] + [pltpu.VMEM((CHUNK, HIDDEN), jnp.float32)] * NBUF
      + [pltpu.SemaphoreType.DMA] * (2 * NBUF),
)
def _sc_gather(idx_hbm, table_hbm, out_hbm, idx_v, *bufs_and_sems):
    bufs = bufs_and_sems[:NBUF]
    gsems = bufs_and_sems[NBUF:2 * NBUF]
    wsems = bufs_and_sems[2 * NBUF:]
    wid = lax.axis_index("s") * NUM_CORES + lax.axis_index("c")
    base = wid * ROWS_PER_WORKER

    pltpu.sync_copy(idx_hbm.at[wid], idx_v)

    gather_cp = [None] * NUM_CHUNKS
    write_cp = [None] * NUM_CHUNKS

    def fire_write(g):
        gather_cp[g].wait()
        write_cp[g] = pltpu.async_copy(
            bufs[g % NBUF],
            out_hbm.at[pl.ds(base + g * CHUNK, CHUNK)],
            wsems[g % NBUF],
        )

    for g in range(NUM_CHUNKS):
        if g >= NBUF:
            write_cp[g - NBUF].wait()
        gather_cp[g] = pltpu.async_copy(
            table_hbm.at[idx_v.at[g]],
            bufs[g % NBUF],
            gsems[g % NBUF],
        )
        if g >= 1:
            fire_write(g - 1)

    fire_write(NUM_CHUNKS - 1)
    for g in range(max(0, NUM_CHUNKS - NBUF), NUM_CHUNKS):
        write_cp[g].wait()


def kernel(seq_indices, embedding_table):
    idx3 = seq_indices.astype(jnp.int32).reshape(NUM_WORKERS, NUM_CHUNKS, CHUNK)
    return _sc_gather(idx3, embedding_table)

# --- scband reference (transcript-rebuilt; emitter-appended) ---
"""Pipeline reference for scband-prompt-encoder-61684320305280 (READ-ONLY COPY).

The authoritative reference and input builder live on the scoring server;
editing this copy changes nothing except your own understanding.
"""

import jax, jax.numpy as jnp
import numpy as np

SOFT_PROMPT_LEN = 2048
HIDDEN_SIZE = 4096

def setup_inputs(seed: int = 0) -> dict:
    key = jax.random.key(seed)
    k1, = jax.random.split(key, 1)
    seq_indices = jnp.arange(SOFT_PROMPT_LEN, dtype=jnp.int64 if jax.config.jax_enable_x64 else jnp.int32)
    embedding_table = jax.random.normal(k1, (SOFT_PROMPT_LEN, HIDDEN_SIZE), dtype=jnp.float32)
    return {"seq_indices": seq_indices, "embedding_table": embedding_table}

def reference(seq_indices, embedding_table):
    # Faithful translation of PromptEncoder.forward: embedding lookup of the
    # fixed arange indices into the learned soft-prompt table.
    input_embeds = jnp.take(embedding_table, seq_indices, axis=0)
    return input_embeds

if __name__ == "__main__":
    import jax
    _d = setup_inputs()
    print(jax.jit(kernel)(*tuple(_d.values())))

</pallas_src>

<mosaic_0001>
#map = affine_map<(d0, d1) -> (0, 0, 0)>
#map1 = affine_map<(d0, d1) -> (0, 0)>
module attributes {stable_mosaic.version = 14 : i64} {
  func.func @_sc_gather(%arg0: i32, %arg1: i32, %arg2: memref<32x8x8xi32, #tpu.memory_space<hbm>>, %arg3: memref<2048x4096xf32, #tpu.memory_space<hbm>>, %arg4: memref<2048x4096xf32, #tpu.memory_space<hbm>>, %arg5: memref<8x8xi32, #tpu.memory_space<vmem>>, %arg6: memref<8x4096xf32, #tpu.memory_space<vmem>>, %arg7: memref<8x4096xf32, #tpu.memory_space<vmem>>, %arg8: memref<!tpu.dma_semaphore, #tpu.memory_space<semaphore_mem>>, %arg9: memref<!tpu.dma_semaphore, #tpu.memory_space<semaphore_mem>>, %arg10: memref<!tpu.dma_semaphore, #tpu.memory_space<semaphore_mem>>, %arg11: memref<!tpu.dma_semaphore, #tpu.memory_space<semaphore_mem>>) attributes {dimension_semantics = [#tpu.dimension_semantics<core_parallel>, #tpu.dimension_semantics<subcore_parallel>], iteration_bounds = array<i64: 2, 16>, scalar_prefetch = 0 : i64, scratch_operands = 7 : i64, tpu.core_type = #tpu.core_type<sc_vector_subcore>, window_params = [{transform_indices = #map}, {transform_indices = #map1}, {transform_indices = #map1}]} {
    %mul3A = arith.constant 2 : i32
    %mul3A_0 = arith.muli %arg1, %mul3A : i32
    %add3A = arith.addi %mul3A_0, %arg0 : i32
    %mul3A_1 = arith.constant 64 : i32
    %mul3A_2 = arith.muli %add3A, %mul3A_1 : i32
    "tpu.region"() ({
      %run_scoped3A = tpu.sem_alloc : memref<!tpu.dma_semaphore, #tpu.memory_space<semaphore_mem>>
      %dma_start3A_193 = arith.constant 0 : i32
      %dma_start3A_194 = arith.constant 0 : i32
      %dma_start3A_195 = tpu.memref_slice %arg2[%add3A, %dma_start3A_193, %dma_start3A_194] : memref<32x8x8xi32, #tpu.memory_space<hbm>> -> memref<1x8x8xi32, #tpu.memory_space<hbm>>
      %dma_start3A_196 = tpu.memref_squeeze %dma_start3A_195 : memref<1x8x8xi32, #tpu.memory_space<hbm>> -> memref<8x8xi32, #tpu.memory_space<hbm>>
      %dma_start3A_197 = arith.constant 0 : i32
      %dma_start3A_198 = arith.constant 0 : i32
      %dma_start3A_199 = tpu.memref_slice %arg2[%add3A, %dma_start3A_197, %dma_start3A_198] : memref<32x8x8xi32, #tpu.memory_space<hbm>> -> memref<1x8x8xi32, #tpu.memory_space<hbm>>
      %dma_start3A_200 = tpu.memref_squeeze %dma_start3A_199 : memref<1x8x8xi32, #tpu.memory_space<hbm>> -> memref<8x8xi32, #tpu.memory_space<hbm>>
      tpu.enqueue_dma source(%dma_start3A_200 : memref<8x8xi32, #tpu.memory_space<hbm>>) target(%arg5 : memref<8x8xi32, #tpu.memory_space<vmem>>) target_semaphore(%run_scoped3A : memref<!tpu.dma_semaphore, #tpu.memory_space<semaphore_mem>>)
      %dma_wait3A_201 = arith.constant 0 : i32
      %dma_wait3A_202 = arith.constant 0 : i32
      %dma_wait3A_203 = tpu.memref_slice %arg2[%add3A, %dma_wait3A_201, %dma_wait3A_202] : memref<32x8x8xi32, #tpu.memory_space<hbm>> -> memref<1x8x8xi32, #tpu.memory_space<hbm>>
      %dma_wait3A_204 = tpu.memref_squeeze %dma_wait3A_203 : memref<1x8x8xi32, #tpu.memory_space<hbm>> -> memref<8x8xi32, #tpu.memory_space<hbm>>
      %dma_wait3A_205 = arith.constant 0 : i32
      %dma_wait3A_206 = arith.constant 0 : i32
      %dma_wait3A_207 = tpu.memref_slice %arg2[%add3A, %dma_wait3A_205, %dma_wait3A_206] : memref<32x8x8xi32, #tpu.memory_space<hbm>> -> memref<1x8x8xi32, #tpu.memory_space<hbm>>
      %dma_wait3A_208 = tpu.memref_squeeze %dma_wait3A_207 : memref<1x8x8xi32, #tpu.memory_space<hbm>> -> memref<8x8xi32, #tpu.memory_space<hbm>>
      tpu.wait_dma2 semaphore(%run_scoped3A : memref<!tpu.dma_semaphore, #tpu.memory_space<semaphore_mem>>) src(%dma_wait3A_208 : memref<8x8xi32, #tpu.memory_space<hbm>>) dst(%arg5 : memref<8x8xi32, #tpu.memory_space<vmem>>)
      tpu.yield
    }) : () -> ()
    %dma_start3A = arith.constant 0 : i32
    %dma_start3A_3 = arith.constant 0 : i32
    %dma_start3A_4 = tpu.memref_slice %arg5[%dma_start3A, %dma_start3A_3] : memref<8x8xi32, #tpu.memory_space<vmem>> -> memref<1x8xi32, #tpu.memory_space<vmem>>
    %dma_start3A_5 = tpu.memref_squeeze %dma_start3A_4 : memref<1x8xi32, #tpu.memory_space<vmem>> -> memref<8xi32, #tpu.memory_space<vmem>>
    %dma_start3A_6 = arith.constant 0 : i32
    %dma_start3A_7 = arith.constant 0 : i32
    %dma_start3A_8 = tpu.memref_slice %arg3[%dma_start3A_6, %dma_start3A_7] : memref<2048x4096xf32, #tpu.memory_space<hbm>> -> memref<2048x4096xf32, #tpu.memory_space<hbm>>
    tpu.enqueue_indirect_dma source(%dma_start3A_8 : memref<2048x4096xf32, #tpu.memory_space<hbm>>) target(%arg6 : memref<8x4096xf32, #tpu.memory_space<vmem>>) offsets(%dma_start3A_5 : memref<8xi32, #tpu.memory_space<vmem>>) semaphore(%arg8 : memref<!tpu.dma_semaphore, #tpu.memory_space<semaphore_mem>>)
    %dma_start3A_9 = arith.constant 1 : i32
    %dma_start3A_10 = arith.constant 0 : i32
    %dma_start3A_11 = tpu.memref_slice %arg5[%dma_start3A_9, %dma_start3A_10] : memref<8x8xi32, #tpu.memory_space<vmem>> -> memref<1x8xi32, #tpu.memory_space<vmem>>
    %dma_start3A_12 = tpu.memref_squeeze %dma_start3A_11 : memref<1x8xi32, #tpu.memory_space<vmem>> -> memref<8xi32, #tpu.memory_space<vmem>>
    %dma_start3A_13 = arith.constant 0 : i32
    %dma_start3A_14 = arith.constant 0 : i32
    %dma_start3A_15 = tpu.memref_slice %arg3[%dma_start3A_13, %dma_start3A_14] : memref<2048x4096xf32, #tpu.memory_space<hbm>> -> memref<2048x4096xf32, #tpu.memory_space<hbm>>
    tpu.enqueue_indirect_dma source(%dma_start3A_15 : memref<2048x4096xf32, #tpu.memory_space<hbm>>) target(%arg7 : memref<8x4096xf32, #tpu.memory_space<vmem>>) offsets(%dma_start3A_12 : memref<8xi32, #tpu.memory_space<vmem>>) semaphore(%arg9 : memref<!tpu.dma_semaphore, #tpu.memory_space<semaphore_mem>>)
    %dma_wait3A = arith.constant 0 : i32
    %dma_wait3A_16 = arith.constant 0 : i32
    %dma_wait3A_17 = tpu.memref_slice %arg5[%dma_wait3A, %dma_wait3A_16] : memref<8x8xi32, #tpu.memory_space<vmem>> -> memref<1x8xi32, #tpu.memory_space<vmem>>
    %dma_wait3A_18 = tpu.memref_squeeze %dma_wait3A_17 : memref<1x8xi32, #tpu.memory_space<vmem>> -> memref<8xi32, #tpu.memory_space<vmem>>
    %dma_wait3A_19 = arith.constant 0 : i32
    %dma_wait3A_20 = arith.constant 0 : i32
    %dma_wait3A_21 = tpu.memref_slice %arg3[%dma_wait3A_19, %dma_wait3A_20] : memref<2048x4096xf32, #tpu.memory_space<hbm>> -> memref<2048x4096xf32, #tpu.memory_space<hbm>>
    tpu.wait_indirect_dma semaphore(%arg8 : memref<!tpu.dma_semaphore, #tpu.memory_space<semaphore_mem>>) src(%dma_wait3A_21 : memref<2048x4096xf32, #tpu.memory_space<hbm>>) dst(%arg6 : memref<8x4096xf32, #tpu.memory_space<vmem>>)
    %add3A_22 = arith.constant 0 : i32
    %add3A_23 = arith.addi %mul3A_2, %add3A_22 : i32
    %dma_start3A_24 = arith.constant 0 : i32
    %dma_start3A_25 = tpu.memref_slice %arg4[%add3A_23, %dma_start3A_24] : memref<2048x4096xf32, #tpu.memory_space<hbm>> -> memref<8x4096xf32, #tpu.memory_space<hbm>>
    %dma_start3A_26 = arith.constant 0 : i32
    %dma_start3A_27 = tpu.memref_slice %arg4[%add3A_23, %dma_start3A_26] : memref<2048x4096xf32, #tpu.memory_space<hbm>> -> memref<8x4096xf32, #tpu.memory_space<hbm>>
    tpu.enqueue_dma source(%arg6 : memref<8x4096xf32, #tpu.memory_space<vmem>>) target(%dma_start3A_27 : memref<8x4096xf32, #tpu.memory_space<hbm>>) target_semaphore(%arg10 : memref<!tpu.dma_semaphore, #tpu.memory_space<semaphore_mem>>)
    %dma_wait3A_28 = arith.constant 0 : i32
    %dma_wait3A_29 = tpu.memref_slice %arg4[%add3A_23, %dma_wait3A_28] : memref<2048x4096xf32, #tpu.memory_space<hbm>> -> memref<8x4096xf32, #tpu.memory_space<hbm>>
    %dma_wait3A_30 = arith.constant 0 : i32
    %dma_wait3A_31 = tpu.memref_slice %arg4[%add3A_23, %dma_wait3A_30] : memref<2048x4096xf32, #tpu.memory_space<hbm>> -> memref<8x4096xf32, #tpu.memory_space<hbm>>
    tpu.wait_dma2 semaphore(%arg10 : memref<!tpu.dma_semaphore, #tpu.memory_space<semaphore_mem>>) src(%arg6 : memref<8x4096xf32, #tpu.memory_space<vmem>>) dst(%dma_wait3A_31 : memref<8x4096xf32, #tpu.memory_space<hbm>>)
    %dma_start3A_32 = arith.constant 2 : i32
    %dma_start3A_33 = arith.constant 0 : i32
    %dma_start3A_34 = tpu.memref_slice %arg5[%dma_start3A_32, %dma_start3A_33] : memref<8x8xi32, #tpu.memory_space<vmem>> -> memref<1x8xi32, #tpu.memory_space<vmem>>
    %dma_start3A_35 = tpu.memref_squeeze %dma_start3A_34 : memref<1x8xi32, #tpu.memory_space<vmem>> -> memref<8xi32, #tpu.memory_space<vmem>>
    %dma_start3A_36 = arith.constant 0 : i32
    %dma_start3A_37 = arith.constant 0 : i32
    %dma_start3A_38 = tpu.memref_slice %arg3[%dma_start3A_36, %dma_start3A_37] : memref<2048x4096xf32, #tpu.memory_space<hbm>> -> memref<2048x4096xf32, #tpu.memory_space<hbm>>
    tpu.enqueue_indirect_dma source(%dma_start3A_38 : memref<2048x4096xf32, #tpu.memory_space<hbm>>) target(%arg6 : memref<8x4096xf32, #tpu.memory_space<vmem>>) offsets(%dma_start3A_35 : memref<8xi32, #tpu.memory_space<vmem>>) semaphore(%arg8 : memref<!tpu.dma_semaphore, #tpu.memory_space<semaphore_mem>>)
    %dma_wait3A_39 = arith.constant 1 : i32
    %dma_wait3A_40 = arith.constant 0 : i32
    %dma_wait3A_41 = tpu.memref_slice %arg5[%dma_wait3A_39, %dma_wait3A_40] : memref<8x8xi32, #tpu.memory_space<vmem>> -> memref<1x8xi32, #tpu.memory_space<vmem>>
    %dma_wait3A_42 = tpu.memref_squeeze %dma_wait3A_41 : memref<1x8xi32, #tpu.memory_space<vmem>> -> memref<8xi32, #tpu.memory_space<vmem>>
    %dma_wait3A_43 = arith.constant 0 : i32
    %dma_wait3A_44 = arith.constant 0 : i32
    %dma_wait3A_45 = tpu.memref_slice %arg3[%dma_wait3A_43, %dma_wait3A_44] : memref<2048x4096xf32, #tpu.memory_space<hbm>> -> memref<2048x4096xf32, #tpu.memory_space<hbm>>
    tpu.wait_indirect_dma semaphore(%arg9 : memref<!tpu.dma_semaphore, #tpu.memory_space<semaphore_mem>>) src(%dma_wait3A_45 : memref<2048x4096xf32, #tpu.memory_space<hbm>>) dst(%arg7 : memref<8x4096xf32, #tpu.memory_space<vmem>>)
    %add3A_46 = arith.constant 8 : i32
    %add3A_47 = arith.addi %mul3A_2, %add3A_46 : i32
    %dma_start3A_48 = arith.constant 0 : i32
    %dma_start3A_49 = tpu.memref_slice %arg4[%add3A_47, %dma_start3A_48] : memref<2048x4096xf32, #tpu.memory_space<hbm>> -> memref<8x4096xf32, #tpu.memory_space<hbm>>
    %dma_start3A_50 = arith.constant 0 : i32
    %dma_start3A_51 = tpu.memref_slice %arg4[%add3A_47, %dma_start3A_50] : memref<2048x4096xf32, #tpu.memory_space<hbm>> -> memref<8x4096xf32, #tpu.memory_space<hbm>>
    tpu.enqueue_dma source(%arg7 : memref<8x4096xf32, #tpu.memory_space<vmem>>) target(%dma_start3A_51 : memref<8x4096xf32, #tpu.memory_space<hbm>>) target_semaphore(%arg11 : memref<!tpu.dma_semaphore, #tpu.memory_space<semaphore_mem>>)
    %dma_wait3A_52 = arith.constant 0 : i32
    %dma_wait3A_53 = tpu.memref_slice %arg4[%add3A_47, %dma_wait3A_52] : memref<2048x4096xf32, #tpu.memory_space<hbm>> -> memref<8x4096xf32, #tpu.memory_space<hbm>>
    %dma_wait3A_54 = arith.constant 0 : i32
    %dma_wait3A_55 = tpu.memref_slice %arg4[%add3A_47, %dma_wait3A_54] : memref<2048x4096xf32, #tpu.memory_space<hbm>> -> memref<8x4096xf32, #tpu.memory_space<hbm>>
    tpu.wait_dma2 semaphore(%arg11 : memref<!tpu.dma_semaphore, #tpu.memory_space<semaphore_mem>>) src(%arg7 : memref<8x4096xf32, #tpu.memory_space<vmem>>) dst(%dma_wait3A_55 : memref<8x4096xf32, #tpu.memory_space<hbm>>)
    %dma_start3A_56 = arith.constant 3 : i32
    %dma_start3A_57 = arith.constant 0 : i32
    %dma_start3A_58 = tpu.memref_slice %arg5[%dma_start3A_56, %dma_start3A_57] : memref<8x8xi32, #tpu.memory_space<vmem>> -> memref<1x8xi32, #tpu.memory_space<vmem>>
    %dma_start3A_59 = tpu.memref_squeeze %dma_start3A_58 : memref<1x8xi32, #tpu.memory_space<vmem>> -> memref<8xi32, #tpu.memory_space<vmem>>
    %dma_start3A_60 = arith.constant 0 : i32
    %dma_start3A_61 = arith.constant 0 : i32
    %dma_start3A_62 = tpu.memref_slice %arg3[%dma_start3A_60, %dma_start3A_61] : memref<2048x4096xf32, #tpu.memory_space<hbm>> -> memref<2048x4096xf32, #tpu.memory_space<hbm>>
    tpu.enqueue_indirect_dma source(%dma_start3A_62 : memref<2048x4096xf32, #tpu.memory_space<hbm>>) target(%arg7 : memref<8x4096xf32, #tpu.memory_space<vmem>>) offsets(%dma_start3A_59 : memref<8xi32, #tpu.memory_space<vmem>>) semaphore(%arg9 : memref<!tpu.dma_semaphore, #tpu.memory_space<semaphore_mem>>)
    %dma_wait3A_63 = arith.constant 2 : i32
    %dma_wait3A_64 = arith.constant 0 : i32
    %dma_wait3A_65 = tpu.memref_slice %arg5[%dma_wait3A_63, %dma_wait3A_64] : memref<8x8xi32, #tpu.memory_space<vmem>> -> memref<1x8xi32, #tpu.memory_space<vmem>>
    %dma_wait3A_66 = tpu.memref_squeeze %dma_wait3A_65 : memref<1x8xi32, #tpu.memory_space<vmem>> -> memref<8xi32, #tpu.memory_space<vmem>>
    %dma_wait3A_67 = arith.constant 0 : i32
    %dma_wait3A_68 = arith.constant 0 : i32
    %dma_wait3A_69 = tpu.memref_slice %arg3[%dma_wait3A_67, %dma_wait3A_68] : memref<2048x4096xf32, #tpu.memory_space<hbm>> -> memref<2048x4096xf32, #tpu.memory_space<hbm>>
    tpu.wait_indirect_dma semaphore(%arg8 : memref<!tpu.dma_semaphore, #tpu.memory_space<semaphore_mem>>) src(%dma_wait3A_69 : memref<2048x4096xf32, #tpu.memory_space<hbm>>) dst(%arg6 : memref<8x4096xf32, #tpu.memory_space<vmem>>)
    %add3A_70 = arith.constant 16 : i32
    %add3A_71 = arith.addi %mul3A_2, %add3A_70 : i32
    %dma_start3A_72 = arith.constant 0 : i32
    %dma_start3A_73 = tpu.memref_slice %arg4[%add3A_71, %dma_start3A_72] : memref<2048x4096xf32, #tpu.memory_space<hbm>> -> memref<8x4096xf32, #tpu.memory_space<hbm>>
    %dma_start3A_74 = arith.constant 0 : i32
    %dma_start3A_75 = tpu.memref_slice %arg4[%add3A_71, %dma_start3A_74] : memref<2048x4096xf32, #tpu.memory_space<hbm>> -> memref<8x4096xf32, #tpu.memory_space<hbm>>
    tpu.enqueue_dma source(%arg6 : memref<8x4096xf32, #tpu.memory_space<vmem>>) target(%dma_start3A_75 : memref<8x4096xf32, #tpu.memory_space<hbm>>) target_semaphore(%arg10 : memref<!tpu.dma_semaphore, #tpu.memory_space<semaphore_mem>>)
    %dma_wait3A_76 = arith.constant 0 : i32
    %dma_wait3A_77 = tpu.memref_slice %arg4[%add3A_71, %dma_wait3A_76] : memref<2048x4096xf32, #tpu.memory_space<hbm>> -> memref<8x4096xf32, #tpu.memory_space<hbm>>
    %dma_wait3A_78 = arith.constant 0 : i32
    %dma_wait3A_79 = tpu.memref_slice %arg4[%add3A_71, %dma_wait3A_78] : memref<2048x4096xf32, #tpu.memory_space<hbm>> -> memref<8x4096xf32, #tpu.memory_space<hbm>>
    tpu.wait_dma2 semaphore(%arg10 : memref<!tpu.dma_semaphore, #tpu.memory_space<semaphore_mem>>) src(%arg6 : memref<8x4096xf32, #tpu.memory_space<vmem>>) dst(%dma_wait3A_79 : memref<8x4096xf32, #tpu.memory_space<hbm>>)
    %dma_start3A_80 = arith.constant 4 : i32
    %dma_start3A_81 = arith.constant 0 : i32
    %dma_start3A_82 = tpu.memref_slice %arg5[%dma_start3A_80, %dma_start3A_81] : memref<8x8xi32, #tpu.memory_space<vmem>> -> memref<1x8xi32, #tpu.memory_space<vmem>>
    %dma_start3A_83 = tpu.memref_squeeze %dma_start3A_82 : memref<1x8xi32, #tpu.memory_space<vmem>> -> memref<8xi32, #tpu.memory_space<vmem>>
    %dma_start3A_84 = arith.constant 0 : i32
    %dma_start3A_85 = arith.constant 0 : i32
    %dma_start3A_86 = tpu.memref_slice %arg3[%dma_start3A_84, %dma_start3A_85] : memref<2048x4096xf32, #tpu.memory_space<hbm>> -> memref<2048x4096xf32, #tpu.memory_space<hbm>>
    tpu.enqueue_indirect_dma source(%dma_start3A_86 : memref<2048x4096xf32, #tpu.memory_space<hbm>>) target(%arg6 : memref<8x4096xf32, #tpu.memory_space<vmem>>) offsets(%dma_start3A_83 : memref<8xi32, #tpu.memory_space<vmem>>) semaphore(%arg8 : memref<!tpu.dma_semaphore, #tpu.memory_space<semaphore_mem>>)
    %dma_wait3A_87 = arith.constant 3 : i32
    %dma_wait3A_88 = arith.constant 0 : i32
    %dma_wait3A_89 = tpu.memref_slice %arg5[%dma_wait3A_87, %dma_wait3A_88] : memref<8x8xi32, #tpu.memory_space<vmem>> -> memref<1x8xi32, #tpu.memory_space<vmem>>
    %dma_wait3A_90 = tpu.memref_squeeze %dma_wait3A_89 : memref<1x8xi32, #tpu.memory_space<vmem>> -> memref<8xi32, #tpu.memory_space<vmem>>
    %dma_wait3A_91 = arith.constant 0 : i32
    %dma_wait3A_92 = arith.constant 0 : i32
    %dma_wait3A_93 = tpu.memref_slice %arg3[%dma_wait3A_91, %dma_wait3A_92] : memref<2048x4096xf32, #tpu.memory_space<hbm>> -> memref<2048x4096xf32, #tpu.memory_space<hbm>>
    tpu.wait_indirect_dma semaphore(%arg9 : memref<!tpu.dma_semaphore, #tpu.memory_space<semaphore_mem>>) src(%dma_wait3A_93 : memref<2048x4096xf32, #tpu.memory_space<hbm>>) dst(%arg7 : memref<8x4096xf32, #tpu.memory_space<vmem>>)
    %add3A_94 = arith.constant 24 : i32
    %add3A_95 = arith.addi %mul3A_2, %add3A_94 : i32
    %dma_start3A_96 = arith.constant 0 : i32
    %dma_start3A_97 = tpu.memref_slice %arg4[%add3A_95, %dma_start3A_96] : memref<2048x4096xf32, #tpu.memory_space<hbm>> -> memref<8x4096xf32, #tpu.memory_space<hbm>>
    %dma_start3A_98 = arith.constant 0 : i32
    %dma_start3A_99 = tpu.memref_slice %arg4[%add3A_95, %dma_start3A_98] : memref<2048x4096xf32, #tpu.memory_space<hbm>> -> memref<8x4096xf32, #tpu.memory_space<hbm>>
    tpu.enqueue_dma source(%arg7 : memref<8x4096xf32, #tpu.memory_space<vmem>>) target(%dma_start3A_99 : memref<8x4096xf32, #tpu.memory_space<hbm>>) target_semaphore(%arg11 : memref<!tpu.dma_semaphore, #tpu.memory_space<semaphore_mem>>)
    %dma_wait3A_100 = arith.constant 0 : i32
    %dma_wait3A_101 = tpu.memref_slice %arg4[%add3A_95, %dma_wait3A_100] : memref<2048x4096xf32, #tpu.memory_space<hbm>> -> memref<8x4096xf32, #tpu.memory_space<hbm>>
    %dma_wait3A_102 = arith.constant 0 : i32
    %dma_wait3A_103 = tpu.memref_slice %arg4[%add3A_95, %dma_wait3A_102] : memref<2048x4096xf32, #tpu.memory_space<hbm>> -> memref<8x4096xf32, #tpu.memory_space<hbm>>
    tpu.wait_dma2 semaphore(%arg11 : memref<!tpu.dma_semaphore, #tpu.memory_space<semaphore_mem>>) src(%arg7 : memref<8x4096xf32, #tpu.memory_space<vmem>>) dst(%dma_wait3A_103 : memref<8x4096xf32, #tpu.memory_space<hbm>>)
    %dma_start3A_104 = arith.constant 5 : i32
    %dma_start3A_105 = arith.constant 0 : i32
    %dma_start3A_106 = tpu.memref_slice %arg5[%dma_start3A_104, %dma_start3A_105] : memref<8x8xi32, #tpu.memory_space<vmem>> -> memref<1x8xi32, #tpu.memory_space<vmem>>
    %dma_start3A_107 = tpu.memref_squeeze %dma_start3A_106 : memref<1x8xi32, #tpu.memory_space<vmem>> -> memref<8xi32, #tpu.memory_space<vmem>>
    %dma_start3A_108 = arith.constant 0 : i32
    %dma_start3A_109 = arith.constant 0 : i32
    %dma_start3A_110 = tpu.memref_slice %arg3[%dma_start3A_108, %dma_start3A_109] : memref<2048x4096xf32, #tpu.memory_space<hbm>> -> memref<2048x4096xf32, #tpu.memory_space<hbm>>
    tpu.enqueue_indirect_dma source(%dma_start3A_110 : memref<2048x4096xf32, #tpu.memory_space<hbm>>) target(%arg7 : memref<8x4096xf32, #tpu.memory_space<vmem>>) offsets(%dma_start3A_107 : memref<8xi32, #tpu.memory_space<vmem>>) semaphore(%arg9 : memref<!tpu.dma_semaphore, #tpu.memory_space<semaphore_mem>>)
    %dma_wait3A_111 = arith.constant 4 : i32
    %dma_wait3A_112 = arith.constant 0 : i32
    %dma_wait3A_113 = tpu.memref_slice %arg5[%dma_wait3A_111, %dma_wait3A_112] : memref<8x8xi32, #tpu.memory_space<vmem>> -> memref<1x8xi32, #tpu.memory_space<vmem>>
    %dma_wait3A_114 = tpu.memref_squeeze %dma_wait3A_113 : memref<1x8xi32, #tpu.memory_space<vmem>> -> memref<8xi32, #tpu.memory_space<vmem>>
    %dma_wait3A_115 = arith.constant 0 : i32
    %dma_wait3A_116 = arith.constant 0 : i32
    %dma_wait3A_117 = tpu.memref_slice %arg3[%dma_wait3A_115, %dma_wait3A_116] : memref<2048x4096xf32, #tpu.memory_space<hbm>> -> memref<2048x4096xf32, #tpu.memory_space<hbm>>
    tpu.wait_indirect_dma semaphore(%arg8 : memref<!tpu.dma_semaphore, #tpu.memory_space<semaphore_mem>>) src(%dma_wait3A_117 : memref<2048x4096xf32, #tpu.memory_space<hbm>>) dst(%arg6 : memref<8x4096xf32, #tpu.memory_space<vmem>>)
    %add3A_118 = arith.constant 32 : i32
    %add3A_119 = arith.addi %mul3A_2, %add3A_118 : i32
    %dma_start3A_120 = arith.constant 0 : i32
    %dma_start3A_121 = tpu.memref_slice %arg4[%add3A_119, %dma_start3A_120] : memref<2048x4096xf32, #tpu.memory_space<hbm>> -> memref<8x4096xf32, #tpu.memory_space<hbm>>
    %dma_start3A_122 = arith.constant 0 : i32
    %dma_start3A_123 = tpu.memref_slice %arg4[%add3A_119, %dma_start3A_122] : memref<2048x4096xf32, #tpu.memory_space<hbm>> -> memref<8x4096xf32, #tpu.memory_space<hbm>>
    tpu.enqueue_dma source(%arg6 : memref<8x4096xf32, #tpu.memory_space<vmem>>) target(%dma_start3A_123 : memref<8x4096xf32, #tpu.memory_space<hbm>>) target_semaphore(%arg10 : memref<!tpu.dma_semaphore, #tpu.memory_space<semaphore_mem>>)
    %dma_wait3A_124 = arith.constant 0 : i32
    %dma_wait3A_125 = tpu.memref_slice %arg4[%add3A_119, %dma_wait3A_124] : memref<2048x4096xf32, #tpu.memory_space<hbm>> -> memref<8x4096xf32, #tpu.memory_space<hbm>>
    %dma_wait3A_126 = arith.constant 0 : i32
    %dma_wait3A_127 = tpu.memref_slice %arg4[%add3A_119, %dma_wait3A_126] : memref<2048x4096xf32, #tpu.memory_space<hbm>> -> memref<8x4096xf32, #tpu.memory_space<hbm>>
    tpu.wait_dma2 semaphore(%arg10 : memref<!tpu.dma_semaphore, #tpu.memory_space<semaphore_mem>>) src(%arg6 : memref<8x4096xf32, #tpu.memory_space<vmem>>) dst(%dma_wait3A_127 : memref<8x4096xf32, #tpu.memory_space<hbm>>)
    %dma_start3A_128 = arith.constant 6 : i32
    %dma_start3A_129 = arith.constant 0 : i32
    %dma_start3A_130 = tpu.memref_slice %arg5[%dma_start3A_128, %dma_start3A_129] : memref<8x8xi32, #tpu.memory_space<vmem>> -> memref<1x8xi32, #tpu.memory_space<vmem>>
    %dma_start3A_131 = tpu.memref_squeeze %dma_start3A_130 : memref<1x8xi32, #tpu.memory_space<vmem>> -> memref<8xi32, #tpu.memory_space<vmem>>
    %dma_start3A_132 = arith.constant 0 : i32
    %dma_start3A_133 = arith.constant 0 : i32
    %dma_start3A_134 = tpu.memref_slice %arg3[%dma_start3A_132, %dma_start3A_133] : memref<2048x4096xf32, #tpu.memory_space<hbm>> -> memref<2048x4096xf32, #tpu.memory_space<hbm>>
    tpu.enqueue_indirect_dma source(%dma_start3A_134 : memref<2048x4096xf32, #tpu.memory_space<hbm>>) target(%arg6 : memref<8x4096xf32, #tpu.memory_space<vmem>>) offsets(%dma_start3A_131 : memref<8xi32, #tpu.memory_space<vmem>>) semaphore(%arg8 : memref<!tpu.dma_semaphore, #tpu.memory_space<semaphore_mem>>)
    %dma_wait3A_135 = arith.constant 5 : i32
    %dma_wait3A_136 = arith.constant 0 : i32
    %dma_wait3A_137 = tpu.memref_slice %arg5[%dma_wait3A_135, %dma_wait3A_136] : memref<8x8xi32, #tpu.memory_space<vmem>> -> memref<1x8xi32, #tpu.memory_space<vmem>>
    %dma_wait3A_138 = tpu.memref_squeeze %dma_wait3A_137 : memref<1x8xi32, #tpu.memory_space<vmem>> -> memref<8xi32, #tpu.memory_space<vmem>>
    %dma_wait3A_139 = arith.constant 0 : i32
    %dma_wait3A_140 = arith.constant 0 : i32
    %dma_wait3A_141 = tpu.memref_slice %arg3[%dma_wait3A_139, %dma_wait3A_140] : memref<2048x4096xf32, #tpu.memory_space<hbm>> -> memref<2048x4096xf32, #tpu.memory_space<hbm>>
    tpu.wait_indirect_dma semaphore(%arg9 : memref<!tpu.dma_semaphore, #tpu.memory_space<semaphore_mem>>) src(%dma_wait3A_141 : memref<2048x4096xf32, #tpu.memory_space<hbm>>) dst(%arg7 : memref<8x4096xf32, #tpu.memory_space<vmem>>)
    %add3A_142 = arith.constant 40 : i32
    %add3A_143 = arith.addi %mul3A_2, %add3A_142 : i32
    %dma_start3A_144 = arith.constant 0 : i32
    %dma_start3A_145 = tpu.memref_slice %arg4[%add3A_143, %dma_start3A_144] : memref<2048x4096xf32, #tpu.memory_space<hbm>> -> memref<8x4096xf32, #tpu.memory_space<hbm>>
    %dma_start3A_146 = arith.constant 0 : i32
    %dma_start3A_147 = tpu.memref_slice %arg4[%add3A_143, %dma_start3A_146] : memref<2048x4096xf32, #tpu.memory_space<hbm>> -> memref<8x4096xf32, #tpu.memory_space<hbm>>
    tpu.enqueue_dma source(%arg7 : memref<8x4096xf32, #tpu.memory_space<vmem>>) target(%dma_start3A_147 : memref<8x4096xf32, #tpu.memory_space<hbm>>) target_semaphore(%arg11 : memref<!tpu.dma_semaphore, #tpu.memory_space<semaphore_mem>>)
    %dma_wait3A_148 = arith.constant 0 : i32
    %dma_wait3A_149 = tpu.memref_slice %arg4[%add3A_143, %dma_wait3A_148] : memref<2048x4096xf32, #tpu.memory_space<hbm>> -> memref<8x4096xf32, #tpu.memory_space<hbm>>
    %dma_wait3A_150 = arith.constant 0 : i32
    %dma_wait3A_151 = tpu.memref_slice %arg4[%add3A_143, %dma_wait3A_150] : memref<2048x4096xf32, #tpu.memory_space<hbm>> -> memref<8x4096xf32, #tpu.memory_space<hbm>>
    tpu.wait_dma2 semaphore(%arg11 : memref<!tpu.dma_semaphore, #tpu.memory_space<semaphore_mem>>) src(%arg7 : memref<8x4096xf32, #tpu.memory_space<vmem>>) dst(%dma_wait3A_151 : memref<8x4096xf32, #tpu.memory_space<hbm>>)
    %dma_start3A_152 = arith.constant 7 : i32
    %dma_start3A_153 = arith.constant 0 : i32
    %dma_start3A_154 = tpu.memref_slice %arg5[%dma_start3A_152, %dma_start3A_153] : memref<8x8xi32, #tpu.memory_space<vmem>> -> memref<1x8xi32, #tpu.memory_space<vmem>>
    %dma_start3A_155 = tpu.memref_squeeze %dma_start3A_154 : memref<1x8xi32, #tpu.memory_space<vmem>> -> memref<8xi32, #tpu.memory_space<vmem>>
    %dma_start3A_156 = arith.constant 0 : i32
    %dma_start3A_157 = arith.constant 0 : i32
    %dma_start3A_158 = tpu.memref_slice %arg3[%dma_start3A_156, %dma_start3A_157] : memref<2048x4096xf32, #tpu.memory_space<hbm>> -> memref<2048x4096xf32, #tpu.memory_space<hbm>>
    tpu.enqueue_indirect_dma source(%dma_start3A_158 : memref<2048x4096xf32, #tpu.memory_space<hbm>>) target(%arg7 : memref<8x4096xf32, #tpu.memory_space<vmem>>) offsets(%dma_start3A_155 : memref<8xi32, #tpu.memory_space<vmem>>) semaphore(%arg9 : memref<!tpu.dma_semaphore, #tpu.memory_space<semaphore_mem>>)
    %dma_wait3A_159 = arith.constant 6 : i32
    %dma_wait3A_160 = arith.constant 0 : i32
    %dma_wait3A_161 = tpu.memref_slice %arg5[%dma_wait3A_159, %dma_wait3A_160] : memref<8x8xi32, #tpu.memory_space<vmem>> -> memref<1x8xi32, #tpu.memory_space<vmem>>
    %dma_wait3A_162 = tpu.memref_squeeze %dma_wait3A_161 : memref<1x8xi32, #tpu.memory_space<vmem>> -> memref<8xi32, #tpu.memory_space<vmem>>
    %dma_wait3A_163 = arith.constant 0 : i32
    %dma_wait3A_164 = arith.constant 0 : i32
    %dma_wait3A_165 = tpu.memref_slice %arg3[%dma_wait3A_163, %dma_wait3A_164] : memref<2048x4096xf32, #tpu.memory_space<hbm>> -> memref<2048x4096xf32, #tpu.memory_space<hbm>>
    tpu.wait_indirect_dma semaphore(%arg8 : memref<!tpu.dma_semaphore, #tpu.memory_space<semaphore_mem>>) src(%dma_wait3A_165 : memref<2048x4096xf32, #tpu.memory_space<hbm>>) dst(%arg6 : memref<8x4096xf32, #tpu.memory_space<vmem>>)
    %add3A_166 = arith.constant 48 : i32
    %add3A_167 = arith.addi %mul3A_2, %add3A_166 : i32
    %dma_start3A_168 = arith.constant 0 : i32
    %dma_start3A_169 = tpu.memref_slice %arg4[%add3A_167, %dma_start3A_168] : memref<2048x4096xf32, #tpu.memory_space<hbm>> -> memref<8x4096xf32, #tpu.memory_space<hbm>>
    %dma_start3A_170 = arith.constant 0 : i32
    %dma_start3A_171 = tpu.memref_slice %arg4[%add3A_167, %dma_start3A_170] : memref<2048x4096xf32, #tpu.memory_space<hbm>> -> memref<8x4096xf32, #tpu.memory_space<hbm>>
    tpu.enqueue_dma source(%arg6 : memref<8x4096xf32, #tpu.memory_space<vmem>>) target(%dma_start3A_171 : memref<8x4096xf32, #tpu.memory_space<hbm>>) target_semaphore(%arg10 : memref<!tpu.dma_semaphore, #tpu.memory_space<semaphore_mem>>)
    %dma_wait3A_172 = arith.constant 7 : i32
    %dma_wait3A_173 = arith.constant 0 : i32
    %dma_wait3A_174 = tpu.memref_slice %arg5[%dma_wait3A_172, %dma_wait3A_173] : memref<8x8xi32, #tpu.memory_space<vmem>> -> memref<1x8xi32, #tpu.memory_space<vmem>>
    %dma_wait3A_175 = tpu.memref_squeeze %dma_wait3A_174 : memref<1x8xi32, #tpu.memory_space<vmem>> -> memref<8xi32, #tpu.memory_space<vmem>>
    %dma_wait3A_176 = arith.constant 0 : i32
    %dma_wait3A_177 = arith.constant 0 : i32
    %dma_wait3A_178 = tpu.memref_slice %arg3[%dma_wait3A_176, %dma_wait3A_177] : memref<2048x4096xf32, #tpu.memory_space<hbm>> -> memref<2048x4096xf32, #tpu.memory_space<hbm>>
    tpu.wait_indirect_dma semaphore(%arg9 : memref<!tpu.dma_semaphore, #tpu.memory_space<semaphore_mem>>) src(%dma_wait3A_178 : memref<2048x4096xf32, #tpu.memory_space<hbm>>) dst(%arg7 : memref<8x4096xf32, #tpu.memory_space<vmem>>)
    %add3A_179 = arith.constant 56 : i32
    %add3A_180 = arith.addi %mul3A_2, %add3A_179 : i32
    %dma_start3A_181 = arith.constant 0 : i32
    %dma_start3A_182 = tpu.memref_slice %arg4[%add3A_180, %dma_start3A_181] : memref<2048x4096xf32, #tpu.memory_space<hbm>> -> memref<8x4096xf32, #tpu.memory_space<hbm>>
    %dma_start3A_183 = arith.constant 0 : i32
    %dma_start3A_184 = tpu.memref_slice %arg4[%add3A_180, %dma_start3A_183] : memref<2048x4096xf32, #tpu.memory_space<hbm>> -> memref<8x4096xf32, #tpu.memory_space<hbm>>
    tpu.enqueue_dma source(%arg7 : memref<8x4096xf32, #tpu.memory_space<vmem>>) target(%dma_start3A_184 : memref<8x4096xf32, #tpu.memory_space<hbm>>) target_semaphore(%arg11 : memref<!tpu.dma_semaphore, #tpu.memory_space<semaphore_mem>>)
    %dma_wait3A_185 = arith.constant 0 : i32
    %dma_wait3A_186 = tpu.memref_slice %arg4[%add3A_167, %dma_wait3A_185] : memref<2048x4096xf32, #tpu.memory_space<hbm>> -> memref<8x4096xf32, #tpu.memory_space<hbm>>
    %dma_wait3A_187 = arith.constant 0 : i32
    %dma_wait3A_188 = tpu.memref_slice %arg4[%add3A_167, %dma_wait3A_187] : memref<2048x4096xf32, #tpu.memory_space<hbm>> -> memref<8x4096xf32, #tpu.memory_space<hbm>>
    tpu.wait_dma2 semaphore(%arg10 : memref<!tpu.dma_semaphore, #tpu.memory_space<semaphore_mem>>) src(%arg6 : memref<8x4096xf32, #tpu.memory_space<vmem>>) dst(%dma_wait3A_188 : memref<8x4096xf32, #tpu.memory_space<hbm>>)
    %dma_wait3A_189 = arith.constant 0 : i32
    %dma_wait3A_190 = tpu.memref_slice %arg4[%add3A_180, %dma_wait3A_189] : memref<2048x4096xf32, #tpu.memory_space<hbm>> -> memref<8x4096xf32, #tpu.memory_space<hbm>>
    %dma_wait3A_191 = arith.constant 0 : i32
    %dma_wait3A_192 = tpu.memref_slice %arg4[%add3A_180, %dma_wait3A_191] : memref<2048x4096xf32, #tpu.memory_space<hbm>> -> memref<8x4096xf32, #tpu.memory_space<hbm>>
    tpu.wait_dma2 semaphore(%arg11 : memref<!tpu.dma_semaphore, #tpu.memory_space<semaphore_mem>>) src(%arg7 : memref<8x4096xf32, #tpu.memory_space<vmem>>) dst(%dma_wait3A_192 : memref<8x4096xf32, #tpu.memory_space<hbm>>)
    return
  }
}

</mosaic_0001>

<sc_bundles>
// kernel: kernel.3.cloned.1.call-start
scs
__scs_entry_jumppad:
0x0: {  	(pc) =	sbr.rel $0x88, $3  }
0x1: {  	(tag) =	ssettag $0x0;
	lr =	simm.s32 $0x1  }
0x2: {  	[smem:$0x3F9F] =	sst lr;
	_ =	strace $0xD0000000  }
0x3: {  	_ = 	snop  }
0x4: {  	_ = 	snop  }
0x5: {  	_ = 	snop  }
0x6: {  	_ = 	snop  }
0x7: {  	_ = 	snop  }
__scs_overlays_trampoline_lowered:
0x8: {  	[smem:$0x3FAE] =	sst s0  }
0x9: {  	[smem:$0x3FAF] =	sst s1  }
0xa: {  	[smem:$0x3FB0] =	sst s2  }
0xb: {  	[smem:$0x3FB1] =	sst s3  }
0xc: {  	[smem:$0x3FB2] =	sst s4  }
0xd: {  	[smem:$0x3FB3] =	sst s5  }
0xe: {  	[smem:$0x3FB4] =	sst s6  }
0xf: {  	[smem:$0x3FB5] =	sst s7  }
0x10: {  	[smem:$0x3FB6] =	sst s8  }
0x11: {  	[smem:$0x3FB7] =	sst s9;
	s0 =	simm.s32 @!p0 $0x0  }
0x12: {  	s1 =	sld [smem:$0x3F9D];
	s0 =	simm.s32 @p0 $0x1  }
0x13: {  	[smem:$0x3FB8] =	sst s0;
	s0 =	simm.s32 @!p1 $0x0  }
0x14: {  	s2 =	sld [smem:$0x3F9C];
	s0 =	simm.s32 @p1 $0x1  }
0x15: {  	[smem:$0x3FB9] =	sst s0;
	s0 =	simm.s32 @!p2 $0x0  }
0x16: {  	s3 =	sld [smem:$0x3FDB];
	s0 =	simm.s32 @p2 $0x1  }
0x17: {  	s4 =	simm.s32 $0x1BF5;
	[smem:$0x3FBB] =	sst s0  }
0x18: {  	s0 =	sld [smem:$0x3F9E];
	_ =	swait.ge [sflag:s4], $0x0  }
0x19: {  	s7 =	sld [smem:$0x3F9F]  }
0x1a: {  	s8 =	sadd.s32 $0xFFFFE003, lr  }
0x1b: {  	s9 =	sadd.s32 $0xFFFFFEF7, lr;
	s5 =	simm.s32 $0xFFFFFFFF;
	p2 =	slt.u32 s8, $0xFFFFF086  }
0x1c: {  	p1 =	slt.u32 s9, $0xF7A;
	s5 =	simm.s32 @!p2 $0x0  }
0x1d: {  	s5 =	simm.s32 @p1 $0x1;
	p0 =	seq.s32 s7, s2  }
0x1e: {  	s7 =	smul.u32 @!p0 $0xF7A, s2;
	p2 =	seq.s32 @!p0 s5, $0x0  }
0x1f: {  	s9 =	smul.u32 $0xF7A, s1;
	s8 =	simm.s32 @!p0 $0x1BF5;
	p2 =	por !p2, p0  }
0x20: {  	[sflag:s8] =	ssyncset.s32 @!p0 $0xFFFFF086;
	s6 =	sadd.s32 @!p0 s3, s7;
	s7 =	simm.s32 @!p0 $0x108  }
0x21: {  	s3 =	sadd.s32 s3, s9;
	s6 =	sadd.s32 @!p0 $0x88, s6;
	s7 =	simm.s32 @p2 $0x1082  }
0x22: {  	[simem:s7], [sflag:s8] =	dma.local @!p0 [hbm:s6], $0xF7A  }
0x23: {  	s9 =	sor.u32 $0xD0000000, s2;
	s6 =	simm.s32 $0x108;
	_ =	swait.ge @!p0 [sflag:s8], $0x0  }
0x24: {  	s3 =	sadd.s32 $0x88, s3;
	s6 =	simm.s32 @!p1 $0x1082;
	[sflag:s4] =	ssyncset.s32 $0xFFFFF086  }
0x25: {  	[simem:s6], [sflag:s4] =	dma.local [hbm:s3], $0xF7A  }
0x26: {  	[smem:$0x3F9F] =	sst s1;
	(tag) =	ssettag s2;
	_ =	strace s9  }
0x27: {  	s1 =	sld [smem:$0x3FAF]  }
0x28: {  	s2 =	sld [smem:$0x3FB0]  }
0x29: {  	s4 =	sld [smem:$0x3FB2]  }
0x2a: {  	p0 =	seq.s32 s5, $0x0;
	s5 =	sld [smem:$0x3FB3]  }
0x2b: {  	s6 =	sld [smem:$0x3FB4]  }
0x2c: {  	s7 =	sld [smem:$0x3FB5]  }
0x2d: {  	s3 =	simm.s32 $0x108;
	s8 =	sld [smem:$0x3FB6]  }
0x2e: {  	s3 =	simm.s32 @!p0 $0x1082;
	s9 =	sld [smem:$0x3FB7]  }
0x2f: {  	lr =	sadd.s32 s0, s3;
	s0 =	sld [smem:$0x3FAE]  }
0x30: {  	s3 =	sld [smem:$0x3FB1]  }
0x31: {  	[smem:$0x3FBA] =	sst s10  }
0x32: {  	s10 =	sld [smem:$0x3FB8];
	_ =	sdelay $0x3  }
0x33: {  	p0 =	seq.s32 s10, $0x1;
	s10 =	sld [smem:$0x3FBA];
	_ =	sdelay $0x3  }
0x34: {  	[smem:$0x3FBA] =	sst s10  }
0x35: {  	s10 =	sld [smem:$0x3FB9];
	_ =	sdelay $0x3  }
0x36: {  	p1 =	seq.s32 s10, $0x1;
	s10 =	sld [smem:$0x3FBA];
	_ =	sdelay $0x3  }
0x37: {  	[smem:$0x3FBA] =	sst s10  }
0x38: {  	s10 =	sld [smem:$0x3FBB]  }
0x39: {  	_ = 	snop;
	(pc) =	sbr.ind lr, $3  }
0x3a: {  	_ = 	snop  }
0x3b: {  	_ = 	snop  }
0x3c: {  	p2 =	seq.s32 s10, $0x1;
	s10 =	sld [smem:$0x3FBA]  }
0x3d: {  	_ =	shalt  }
0x3e: {  	_ =	shalt  }
0x3f: {  	_ =	shalt  }
0x40: {  	_ =	shalt  }
0x41: {  	_ =	shalt  }
0x42: {  	_ =	shalt  }
0x43: {  	_ =	shalt  }
0x44: {  	_ =	shalt  }
0x45: {  	_ =	shalt  }
0x46: {  	_ =	shalt  }
0x47: {  	_ =	shalt  }
0x48: {  	_ =	shalt  }
0x49: {  	_ =	shalt  }
0x4a: {  	_ =	shalt  }
0x4b: {  	_ =	shalt  }
0x4c: {  	_ =	shalt  }
0x4d: {  	_ =	shalt  }
0x4e: {  	_ =	shalt  }
0x4f: {  	_ =	shalt  }
0x50: {  	_ =	shalt  }
0x51: {  	_ =	shalt  }
0x52: {  	_ =	shalt  }
0x53: {  	_ =	shalt  }
0x54: {  	_ =	shalt  }
0x55: {  	_ =	shalt  }
0x56: {  	_ =	shalt  }
0x57: {  	_ =	shalt  }
0x58: {  	_ =	shalt  }
0x59: {  	_ =	shalt  }
0x5a: {  	_ =	shalt  }
0x5b: {  	_ =	shalt  }
0x5c: {  	_ =	shalt  }
0x5d: {  	_ =	shalt  }
0x5e: {  	_ =	shalt  }
0x5f: {  	_ =	shalt  }
0x60: {  	_ =	shalt  }
0x61: {  	_ =	shalt  }
0x62: {  	_ =	shalt  }
0x63: {  	_ =	shalt  }
0x64: {  	_ =	shalt  }
0x65: {  	_ =	shalt  }
0x66: {  	_ =	shalt  }
0x67: {  	_ =	shalt  }
0x68: {  	_ =	shalt  }
0x69: {  	_ =	shalt  }
0x6a: {  	_ =	shalt  }
0x6b: {  	_ =	shalt  }
0x6c: {  	_ =	shalt  }
0x6d: {  	_ =	shalt  }
0x6e: {  	_ =	shalt  }
0x6f: {  	_ =	shalt  }
0x70: {  	_ =	shalt  }
0x71: {  	_ =	shalt  }
0x72: {  	_ =	shalt  }
0x73: {  	_ =	shalt  }
0x74: {  	_ =	shalt  }
0x75: {  	_ =	shalt  }
0x76: {  	_ =	shalt  }
0x77: {  	_ =	shalt  }
0x78: {  	_ =	shalt  }
0x79: {  	_ =	shalt  }
0x7a: {  	_ =	shalt  }
0x7b: {  	_ =	shalt  }
0x7c: {  	_ =	shalt  }
0x7d: {  	_ =	shalt  }
0x7e: {  	_ =	shalt  }
0x7f: {  	_ =	shalt  }
0x80: {  	_ =	shalt  }
0x81: {  	_ =	shalt  }
0x82: {  	_ =	shalt  }
0x83: {  	_ =	shalt  }
0x84: {  	_ =	shalt  }
0x85: {  	_ =	shalt  }
0x86: {  	_ =	shalt  }
0x87: {  	_ =	shalt  }
.Lfunc_end0:
.L_simem_size_0:
called_computation_lowered:
.L_overlay_start_0:
0x88: {  	s2 =	sld [smem:$0x3FD9]  }
0x89: {  	s3 =	sld [smem:$0x3FFE];
	_ =	sdelay $0x1  }
0x8a: {  	s1 =	srdreg.scid  }
0x8b: {  	s0 =	sand.u32 $0x1, s1  }
0x8c: {  	s17 =	sshll.u32 s0, $0xA;
	s2 =	sadd.s32 s3, s2  }
0x8d: {  	s2 =	sadd.s32 s2, s17  }
0x8e: {  	[smem:$0x3FC6] =	sst s2  }
0x8f: {  	_ = 	snop  }
0x90: {  	s2 =	sld [smem:$0x3FC8]  }
0x91: {  	s18 =	sld [smem:$0x3FD0];
	(tm) =	ssettm $0x1  }
0x92: {  	s4 =	sld [smem:$0x3FFB];
	_ =	sdelay $0x3  }
0x93: {  	_ =	strace s4  }
0x94: {  	s4 =	sld [smem:$0x3FFC];
	_ =	sdelay $0x3  }
0x95: {  	_ =	strace s4  }
0x96: {  	s4 =	sld [smem:$0x3FFD];
	_ =	sdelay $0x3  }
0x97: {  	_ =	strace s4  }
0x98: {  	_ =	strace $0x8FFFFFFF  }
0x99: {  	s19 =	sld [smem:$0x3FDB];
	_ =	sdelay $0x1  }
0x9a: {  	s5 =	simm.s32 $_scs_section_size  }
0x9b: {  	s6 =	simm.s32 $_size__tile_overlayer_lowered;
	s7 =	simm.s32 $_tile_overlayer_lowered  }
0x9c: {  	s22 =	simm.s32 $0x1BFF;
	s21 =	sshll.u32 s7, $0x1;
	s4 =	sadd.s32 s5, s19  }
0x9d: {  	s8 =	simm.s32 $0x0;
	s20 =	sshll.u32 s6, $0x1;
	s6 =	sadd.s32 s21, s4  }
0x9e: {  	[timem:s8], [sflag:s22] =	dma.local [hbm:s6], s20  }
0x9f: {  	_ =	swait.ge [sflag:s22], s20  }
0xa0: {  	s5 =	ssub.s32 $0x0, s20;
	[sflag:s22] =	ssyncset.done $0x0  }
0xa1: {  	[sflag:s22] =	ssyncadd.s32 s5;
	_ =	sdelay $0x1  }
0xa2: {  	s23 =	simm.s32 $0x1B8B  }
0xa3: {  	_ =	swait.ge [sflag:s23], $0x1  }
0xa4: {  	[sflag:s23] =	ssyncset.done $0x0  }
0xa5: {  	s25 =	simm.s32 $0x1B8E;
	s24 =	sld [smem:$0x3FFE];
	[sflag:s23] =	ssyncadd.s32 $0xFFFFFFFF  }
0xa6: {  	s26 =	simm.s32 $execute0_lowered;
	[smem:$0x3FD2] =	sst s25  }
0xa7: {  	s6 =	sshll.u32 s26, $0x1;
	_ =	strace $0x80000046;
	[dreg:$0x1] =	wrdreg $0xFFFFFFFF  }
0xa8: {  	s28 =	simm.s32 $_size_execute0_lowered;
	s4 =	sadd.s32 s4, s6;
	[dreg:$0x0] =	wrdreg $0x0  }
0xa9: {  	s6 =	sshll.u32 s28, $0x1;
	[dreg:$0x2] =	wrdreg s4  }
0xaa: {  	[dreg:$0x3] =	wrdreg s6  }
0xab: {  	[dreg:$0x4] =	wrdreg $0xC0  }
0xac: {  	_ =	task [dreg:s8], $0x5FFFF  }
0xad: {  	[dreg:$0x1] =	wrdreg $0xFFFFFFFF  }
0xae: {  	[dreg:$0x0] =	wrdreg $0x60  }
0xaf: {  	[dreg:$0x2] =	wrdreg s24  }
0xb0: {  	[dreg:$0x3] =	wrdreg s2  }
0xb1: {  	[dreg:$0x4] =	wrdreg s18  }
0xb2: {  	[dreg:$0x5] =	wrdreg $0x9  }
0xb3: {  	_ =	task.clear_ibuf [dreg:s8], $0x6FFFF;
	_ =	strace $0x90000046  }
0xb4: {  	s29 =	simm.s32 $0x9;
	_ =	strace $0x80000048  }
0xb5: {  	_ =	swait.ge [sflag:s29], $0x1  }
0xb6: {  	[sflag:s29] =	ssyncadd.s32 $0xFFFFFFFF  }
0xb7: {  	_ =	strace $0x90000048  }
0xb8: {  	_ =	sfence  }
0xb9: {  	s30 =	sld [smem:$0x0];
	_ =	sdelay $0x2  }
0xba: {  	s31 =	sshll.u32 s1, $0xD;
	s1 =	sshrl.u32 s1, $0x2  }
0xbb: {  	s3 =	sand.u32 $0x4000, s31;
	s1 =	sadd.s32 s1, s30  }
0xbc: {  	s0 =	sor.u32 s3, s0;
	s1 =	sshll.u32 s1, $0x11  }
0xbd: {  	s0 =	sor.u32 s1, s0  }
0xbe: {  	s0 =	sadd.s32 $0x8F2B, s0  }
0xbf: {  	[sflag:s0] =	ssyncadd.remote.s32 $0x1  }
0xc0: {  	_ =	sfence.sel $0xFFFF  }
0xc1: {  	[dreg:$0x0] =	wrdreg $0xFFFFFFFF;
	(pc) =	sbr.abs _section_cstart, $3  }
0xc2: {  	[dreg:$0x1] =	wrdreg $0xFFFFFFFF  }
0xc3: {  	_ =	task.clear_ibuf [dreg:s8], $0x2FFFF;
	_ =	strace $0x9FFFFFFF  }
0xc4: {  	(tm) =	ssettm $0x7FFFFFFF  }
0xc5: {  	_ =	shalt  }
tec
execute0_lowered:
.L_overlay_start_1:
0x0: {  	(tag) =	ssettag $0x1  }
0x1: {  	s0 =	rddreg [dreg:$0x0]  }
0x2: {  	s1 =	srdreg.scid;
	s2 =	rddreg [dreg:$0x1]  }
0x3: {  	s3 =	stileid.u32;
	s11 =	rddreg [dreg:$0x2];
	s30 =	simm.s32 $0x8400  }
0x4: {  	s21 =	simm.s32 $0x4;
	s1 =	sand.u32 $0x1, s1;
	s3 =	sshll.u32 s3, $0x1  }
0x5: {  	s5 =	sadd.s32 $0x200, s2;
	s6 =	sadd.s32 $0x300, s2;
	s7 =	sadd.s32 $0x400, s2  }
0x6: {  	s8 =	sadd.s32 $0x500, s2;
	s10 =	sadd.s32 $0x700, s2;
	s12 =	sadd.s32 $0x800, s2  }
0x7: {  	s13 =	sadd.s32 $0x900, s2;
	s14 =	sadd.s32 $0xA00, s2;
	s15 =	sadd.s32 $0xB00, s2  }
0x8: {  	s16 =	sadd.s32 $0xC00, s2;
	s17 =	sadd.s32 $0xD00, s2;
	s18 =	sadd.s32 $0xE00, s2  }
0x9: {  	s19 =	sadd.s32 $0xF00, s2;
	s9 =	sor.u32 s1, s3;
	s3 =	simm.s32 $0x0  }
0xa: {  	s1 =	ssub.s32 $0x2, s1;
	s4 =	sshll.u32 s9, $0x7;
	s23 =	sshll.u32 s9, $0xF  }
0xb: {  	[smem:$0x7FF] =	sst s3;
	s0 =	sadd.s32 s4, s0;
	s11 =	sadd.s32 s11, s23  }
0xc: {  	_ =	strace $0x80000047;
	s0 =	sadd.s32 $0x400, s0;
	[dreg:$0xc] =	wrdreg s11  }
0xd: {  	s22 =	sshrl.u32 s1, $0x1;
	s24 =	sadd.s32 $0x2000, s11;
	[dreg:$0x4] =	wrdreg s0  }
0xe: {  	s9 =	sadd.s32 $0x600, s2;
	s25 =	sadd.s32 $0x3000, s11;
	[dreg:$0x6] =	wrdreg s24  }
0xf: {  	s1 =	ssub.s32 s1, s22;
	s26 =	sadd.s32 $0x4000, s11;
	[dreg:$0x7] =	wrdreg s25  }
0x10: {  	s4 =	sadd.s32 $0x100, s2;
	s28 =	sadd.s32 $0x5000, s11;
	[dreg:$0x8] =	wrdreg s26  }
0x11: {  	s29 =	sadd.s32 $0x6000, s11;
	s31 =	sadd.s32 $0x7000, s11;
	[dreg:$0x9] =	wrdreg s28  }
0x12: {  	v0 =	vlaneseq.u32;
	s20 =	smax.u32 s1, $0x1;
	s1 =	simm.s32 $0x1;
	[dreg:$0xa] =	wrdreg s29  }
0x13: {  	v1 =	vshrl.u32 v0, $0x3;
	s0 =	sadd.s32 $0x1000, s11;
	[dreg:$0xb] =	wrdreg s31;
	s11 =	simm.s32 $0x2  }
0x14: {  	vm0 =	vmmov $0xffff;
	v0 =	vand.u32 $0x7, v0;
	v1 =	vmul.u32 $0x8, v1;
	s24 =	simm.s32 $0x400;
	[dreg:$0x5] =	wrdreg s0;
	s0 =	simm.s32 $0x3  }
.LBB2_1:
0x15: {  	s23 =	rddreg [dreg:$0x4];
	s25 =	simm.s32 $0x5  }
0x16: {  	[tilespmem:s3], [sflag:$0x5] =	stream.linear.gather [hbm4b:s23+s3], $0x400, $0x38;
	[tilespmem:$0x10400] =	vst v63  }
0x17: {  	_ =	swait.ge [sflag:s25], $0x400  }
0x18: {  	[sflag:s25] =	ssyncset.done $0x0  }
0x19: {  	[sflag:s25] =	ssyncadd.s32 $0xFFFFFC00  }
0x1a: {  	v2 =	vld.msk [tilespmem:$0x0], $0xff;
	_ =	sdelay $0x4  }
0x1b: {  	v3 =	vshll.u32 v2, $0x5  }
0x1c: {  	v2 =	vand.u32 $0x7, v2;
	v3 =	vand.u32 $0xFFFFFF00, v3  }
0x1d: {  	v2 =	vor.u32 v2, v3  }
0x1e: {  	v2 =	vperm.xlane v2, v0;
	_ =	sdelay $0x1  }
0x1f: {  	v2 =	vadd.s32 v1, v2;
	_ =	sdelay $0x3  }
0x20: {  	s2 =	rddreg [dreg:$0x1]  }
0x21: {  	[tilespmem:s24], [sflag:$0x1] =	stream.indirect_vreg.gather [hbm4b:s2+s3], $0x80, v2, vm0, $0xb8;
	[tilespmem:$0x10400] =	vst v63  }
0x22: {  	s22 =	simm.s32 $0xC00  }
0x23: {  	[tilespmem:s22], [sflag:$0x1] =	stream.indirect_vreg.gather [hbm4b:s4+s3], $0x80, v2, vm0, $0xb8;
	[tilespmem:$0x10400] =	vst v63  }
0x24: {  	s26 =	simm.s32 $0x1400  }
0x25: {  	[tilespmem:s26], [sflag:$0x1] =	stream.indirect_vreg.gather [hbm4b:s5+s3], $0x80, v2, vm0, $0xb8;
	[tilespmem:$0x10400] =	vst v63  }
0x26: {  	s28 =	simm.s32 $0x1C00  }
0x27: {  	[tilespmem:s28], [sflag:$0x1] =	stream.indirect_vreg.gather [hbm4b:s6+s3], $0x80, v2, vm0, $0xb8;
	[tilespmem:$0x10400] =	vst v63  }
0x28: {  	s29 =	simm.s32 $0x2400  }
0x29: {  	[tilespmem:s29], [sflag:$0x1] =	stream.indirect_vreg.gather [hbm4b:s7+s3], $0x80, v2, vm0, $0xb8;
	[tilespmem:$0x10400] =	vst v63  }
0x2a: {  	s31 =	simm.s32 $0x2C00  }
0x2b: {  	[tilespmem:s31], [sflag:$0x1] =	stream.indirect_vreg.gather [hbm4b:s8+s3], $0x80, v2, vm0, $0xb8;
	[tilespmem:$0x10400] =	vst v63  }
0x2c: {  	s23 =	simm.s32 $0x3400  }
0x2d: {  	[tilespmem:s23], [sflag:$0x1] =	stream.indirect_vreg.gather [hbm4b:s9+s3], $0x80, v2, vm0, $0xb8;
	[tilespmem:$0x10400] =	vst v63  }
0x2e: {  	s25 =	simm.s32 $0x3C00  }
0x2f: {  	[tilespmem:s25], [sflag:$0x1] =	stream.indirect_vreg.gather [hbm4b:s10+s3], $0x80, v2, vm0, $0xb8;
	[tilespmem:$0x10400] =	vst v63  }
0x30: {  	s26 =	simm.s32 $0x4400  }
0x31: {  	[tilespmem:s26], [sflag:$0x1] =	stream.indirect_vreg.gather [hbm4b:s12+s3], $0x80, v2, vm0, $0xb8;
	[tilespmem:$0x10400] =	vst v63  }
0x32: {  	s28 =	simm.s32 $0x4C00  }
0x33: {  	[tilespmem:s28], [sflag:$0x1] =	stream.indirect_vreg.gather [hbm4b:s13+s3], $0x80, v2, vm0, $0xb8;
	[tilespmem:$0x10400] =	vst v63  }
0x34: {  	s29 =	simm.s32 $0x5400  }
0x35: {  	[tilespmem:s29], [sflag:$0x1] =	stream.indirect_vreg.gather [hbm4b:s14+s3], $0x80, v2, vm0, $0xb8;
	[tilespmem:$0x10400] =	vst v63  }
0x36: {  	s31 =	simm.s32 $0x5C00  }
0x37: {  	[tilespmem:s31], [sflag:$0x1] =	stream.indirect_vreg.gather [hbm4b:s15+s3], $0x80, v2, vm0, $0xb8;
	[tilespmem:$0x10400] =	vst v63  }
0x38: {  	s22 =	simm.s32 $0x6400  }
0x39: {  	[tilespmem:s22], [sflag:$0x1] =	stream.indirect_vreg.gather [hbm4b:s16+s3], $0x80, v2, vm0, $0xb8;
	[tilespmem:$0x10400] =	vst v63  }
0x3a: {  	s25 =	simm.s32 $0x6C00  }
0x3b: {  	[tilespmem:s25], [sflag:$0x1] =	stream.indirect_vreg.gather [hbm4b:s17+s3], $0x80, v2, vm0, $0xb8;
	[tilespmem:$0x10400] =	vst v63  }
0x3c: {  	s26 =	simm.s32 $0x7400  }
0x3d: {  	[tilespmem:s26], [sflag:$0x1] =	stream.indirect_vreg.gather [hbm4b:s18+s3], $0x80, v2, vm0, $0xb8;
	[tilespmem:$0x10400] =	vst v63  }
0x3e: {  	s28 =	simm.s32 $0x7C00  }
0x3f: {  	[tilespmem:s28], [sflag:$0x1] =	stream.indirect_vreg.gather [hbm4b:s19+s3], $0x80, v2, vm0, $0xb8;
	[tilespmem:$0x10400] =	vst v63  }
0x40: {  	v2 =	vld.msk [tilespmem:$0x80], $0xff;
	_ =	sdelay $0x4  }
0x41: {  	v3 =	vshll.u32 v2, $0x5  }
0x42: {  	v2 =	vand.u32 $0x7, v2;
	v3 =	vand.u32 $0xFFFFFF00, v3  }
0x43: {  	v2 =	vor.u32 v2, v3  }
0x44: {  	v2 =	vperm.xlane v2, v0;
	_ =	sdelay $0x1  }
0x45: {  	v2 =	vadd.s32 v1, v2;
	_ =	sdelay $0x4  }
0x46: {  	[tilespmem:s30], [sflag:$0x2] =	stream.indirect_vreg.gather [hbm4b:s2+s3], $0x80, v2, vm0, $0xb8;
	[tilespmem:$0x10400] =	vst v63  }
0x47: {  	s29 =	simm.s32 $0x8C00  }
0x48: {  	[tilespmem:s29], [sflag:$0x2] =	stream.indirect_vreg.gather [hbm4b:s4+s3], $0x80, v2, vm0, $0xb8;
	[tilespmem:$0x10400] =	vst v63  }
0x49: {  	s22 =	simm.s32 $0x9400  }
0x4a: {  	[tilespmem:s22], [sflag:$0x2] =	stream.indirect_vreg.gather [hbm4b:s5+s3], $0x80, v2, vm0, $0xb8;
	[tilespmem:$0x10400] =	vst v63  }
0x4b: {  	s25 =	simm.s32 $0x9C00  }
0x4c: {  	[tilespmem:s25], [sflag:$0x2] =	stream.indirect_vreg.gather [hbm4b:s6+s3], $0x80, v2, vm0, $0xb8;
	[tilespmem:$0x10400] =	vst v63  }
0x4d: {  	s26 =	simm.s32 $0xA400  }
0x4e: {  	[tilespmem:s26], [sflag:$0x2] =	stream.indirect_vreg.gather [hbm4b:s7+s3], $0x80, v2, vm0, $0xb8;
	[tilespmem:$0x10400] =	vst v63  }
0x4f: {  	s28 =	simm.s32 $0xAC00  }
0x50: {  	[tilespmem:s28], [sflag:$0x2] =	stream.indirect_vreg.gather [hbm4b:s8+s3], $0x80, v2, vm0, $0xb8;
	[tilespmem:$0x10400] =	vst v63  }
0x51: {  	s29 =	simm.s32 $0xB400  }
0x52: {  	[tilespmem:s29], [sflag:$0x2] =	stream.indirect_vreg.gather [hbm4b:s9+s3], $0x80, v2, vm0, $0xb8;
	[tilespmem:$0x10400] =	vst v63  }
0x53: {  	s22 =	simm.s32 $0xBC00  }
0x54: {  	[tilespmem:s22], [sflag:$0x2] =	stream.indirect_vreg.gather [hbm4b:s10+s3], $0x80, v2, vm0, $0xb8;
	[tilespmem:$0x10400] =	vst v63  }
0x55: {  	s25 =	simm.s32 $0xC400  }
0x56: {  	[tilespmem:s25], [sflag:$0x2] =	stream.indirect_vreg.gather [hbm4b:s12+s3], $0x80, v2, vm0, $0xb8;
	[tilespmem:$0x10400] =	vst v63  }
0x57: {  	s26 =	simm.s32 $0xCC00  }
0x58: {  	[tilespmem:s26], [sflag:$0x2] =	stream.indirect_vreg.gather [hbm4b:s13+s3], $0x80, v2, vm0, $0xb8;
	[tilespmem:$0x10400] =	vst v63  }
0x59: {  	s28 =	simm.s32 $0xD400  }
0x5a: {  	[tilespmem:s28], [sflag:$0x2] =	stream.indirect_vreg.gather [hbm4b:s14+s3], $0x80, v2, vm0, $0xb8;
	[tilespmem:$0x10400] =	vst v63  }
0x5b: {  	s29 =	simm.s32 $0xDC00  }
0x5c: {  	[tilespmem:s29], [sflag:$0x2] =	stream.indirect_vreg.gather [hbm4b:s15+s3], $0x80, v2, vm0, $0xb8;
	[tilespmem:$0x10400] =	vst v63  }
0x5d: {  	s22 =	simm.s32 $0xE400  }
0x5e: {  	[tilespmem:s22], [sflag:$0x2] =	stream.indirect_vreg.gather [hbm4b:s16+s3], $0x80, v2, vm0, $0xb8;
	[tilespmem:$0x10400] =	vst v63  }
0x5f: {  	s25 =	simm.s32 $0xEC00  }
0x60: {  	[tilespmem:s25], [sflag:$0x2] =	stream.indirect_vreg.gather [hbm4b:s17+s3], $0x80, v2, vm0, $0xb8;
	[tilespmem:$0x10400] =	vst v63  }
0x61: {  	s26 =	simm.s32 $0xF400  }
0x62: {  	[tilespmem:s26], [sflag:$0x2] =	stream.indirect_vreg.gather [hbm4b:s18+s3], $0x80, v2, vm0, $0xb8;
	[tilespmem:$0x10400] =	vst v63  }
0x63: {  	s28 =	simm.s32 $0xFC00  }
0x64: {  	[tilespmem:s28], [sflag:$0x2] =	stream.indirect_vreg.gather [hbm4b:s19+s3], $0x80, v2, vm0, $0xb8;
	[tilespmem:$0x10400] =	vst v63  }
0x65: {  	_ =	swait.ge [sflag:s1], $0x8000  }
0x66: {  	[sflag:s1] =	ssyncset.done $0x0  }
0x67: {  	s29 =	rddreg [dreg:$0xc];
	[sflag:s1] =	ssyncadd.s32 $0xFFFF8000  }
0x68: {  	[hbm4b:s29+s3] =	stream.linear.scatter [tilespmem:s24], [sflag:$0x3], $0x8000, $0x38;
	[tilespmem:$0x10400] =	vst v63  }
0x69: {  	_ =	swait.ge [sflag:s0], $0x8000  }
0x6a: {  	[sflag:s0] =	ssyncset.done $0x0  }
0x6b: {  	[sflag:s0] =	ssyncadd.s32 $0xFFFF8000  }
0x6c: {  	v2 =	vld.msk [tilespmem:$0x100], $0xff;
	_ =	sdelay $0x4  }
0x6d: {  	v3 =	vshll.u32 v2, $0x5  }
0x6e: {  	v2 =	vand.u32 $0x7, v2;
	v3 =	vand.u32 $0xFFFFFF00, v3  }
0x6f: {  	v2 =	vor.u32 v2, v3  }
0x70: {  	v2 =	vperm.xlane v2, v0;
	_ =	sdelay $0x1  }
0x71: {  	v2 =	vadd.s32 v1, v2;
	_ =	sdelay $0x4  }
0x72: {  	[tilespmem:s24], [sflag:$0x1] =	stream.indirect_vreg.gather [hbm4b:s2+s3], $0x80, v2, vm0, $0xb8;
	[tilespmem:$0x10400] =	vst v63  }
0x73: {  	s22 =	simm.s32 $0xC00  }
0x74: {  	[tilespmem:s22], [sflag:$0x1] =	stream.indirect_vreg.gather [hbm4b:s4+s3], $0x80, v2, vm0, $0xb8;
	[tilespmem:$0x10400] =	vst v63  }
0x75: {  	s25 =	simm.s32 $0x1400  }
0x76: {  	[tilespmem:s25], [sflag:$0x1] =	stream.indirect_vreg.gather [hbm4b:s5+s3], $0x80, v2, vm0, $0xb8;
	[tilespmem:$0x10400] =	vst v63  }
0x77: {  	s26 =	simm.s32 $0x1C00  }
0x78: {  	[tilespmem:s26], [sflag:$0x1] =	stream.indirect_vreg.gather [hbm4b:s6+s3], $0x80, v2, vm0, $0xb8;
	[tilespmem:$0x10400] =	vst v63  }
0x79: {  	s28 =	simm.s32 $0x2400  }
0x7a: {  	[tilespmem:s28], [sflag:$0x1] =	stream.indirect_vreg.gather [hbm4b:s7+s3], $0x80, v2, vm0, $0xb8;
	[tilespmem:$0x10400] =	vst v63  }
0x7b: {  	s29 =	simm.s32 $0x2C00  }
0x7c: {  	[tilespmem:s29], [sflag:$0x1] =	stream.indirect_vreg.gather [hbm4b:s8+s3], $0x80, v2, vm0, $0xb8;
	[tilespmem:$0x10400] =	vst v63  }
0x7d: {  	s23 =	simm.s32 $0x3400  }
0x7e: {  	[tilespmem:s23], [sflag:$0x1] =	stream.indirect_vreg.gather [hbm4b:s9+s3], $0x80, v2, vm0, $0xb8;
	[tilespmem:$0x10400] =	vst v63  }
0x7f: {  	s23 =	simm.s32 $0x3C00  }
0x80: {  	[tilespmem:s23], [sflag:$0x1] =	stream.indirect_vreg.gather [hbm4b:s10+s3], $0x80, v2, vm0, $0xb8;
	[tilespmem:$0x10400] =	vst v63  }
0x81: {  	s23 =	simm.s32 $0x4400  }
0x82: {  	[tilespmem:s23], [sflag:$0x1] =	stream.indirect_vreg.gather [hbm4b:s12+s3], $0x80, v2, vm0, $0xb8;
	[tilespmem:$0x10400] =	vst v63  }
0x83: {  	s23 =	simm.s32 $0x4C00  }
0x84: {  	[tilespmem:s23], [sflag:$0x1] =	stream.indirect_vreg.gather [hbm4b:s13+s3], $0x80, v2, vm0, $0xb8;
	[tilespmem:$0x10400] =	vst v63  }
0x85: {  	s23 =	simm.s32 $0x5400  }
0x86: {  	[tilespmem:s23], [sflag:$0x1] =	stream.indirect_vreg.gather [hbm4b:s14+s3], $0x80, v2, vm0, $0xb8;
	[tilespmem:$0x10400] =	vst v63  }
0x87: {  	s23 =	simm.s32 $0x5C00  }
0x88: {  	[tilespmem:s23], [sflag:$0x1] =	stream.indirect_vreg.gather [hbm4b:s15+s3], $0x80, v2, vm0, $0xb8;
	[tilespmem:$0x10400] =	vst v63  }
0x89: {  	s23 =	simm.s32 $0x6400  }
0x8a: {  	[tilespmem:s23], [sflag:$0x1] =	stream.indirect_vreg.gather [hbm4b:s16+s3], $0x80, v2, vm0, $0xb8;
	[tilespmem:$0x10400] =	vst v63  }
0x8b: {  	s23 =	simm.s32 $0x6C00  }
0x8c: {  	[tilespmem:s23], [sflag:$0x1] =	stream.indirect_vreg.gather [hbm4b:s17+s3], $0x80, v2, vm0, $0xb8;
	[tilespmem:$0x10400] =	vst v63  }
0x8d: {  	s23 =	simm.s32 $0x7400  }
0x8e: {  	[tilespmem:s23], [sflag:$0x1] =	stream.indirect_vreg.gather [hbm4b:s18+s3], $0x80, v2, vm0, $0xb8;
	[tilespmem:$0x10400] =	vst v63  }
0x8f: {  	s31 =	simm.s32 $0x7C00  }
0x90: {  	[tilespmem:s31], [sflag:$0x1] =	stream.indirect_vreg.gather [hbm4b:s19+s3], $0x80, v2, vm0, $0xb8;
	[tilespmem:$0x10400] =	vst v63  }
0x91: {  	_ =	swait.ge [sflag:s11], $0x8000  }
0x92: {  	[sflag:s11] =	ssyncset.done $0x0  }
0x93: {  	s31 =	rddreg [dreg:$0x5];
	[sflag:s11] =	ssyncadd.s32 $0xFFFF8000  }
0x94: {  	[hbm4b:s31+s3] =	stream.linear.scatter [tilespmem:s30], [sflag:$0x4], $0x8000, $0x38;
	[tilespmem:$0x10400] =	vst v63  }
0x95: {  	_ =	swait.ge [sflag:s21], $0x8000  }
0x96: {  	[sflag:s21] =	ssyncset.done $0x0  }
0x97: {  	[sflag:s21] =	ssyncadd.s32 $0xFFFF8000  }
0x98: {  	v2 =	vld.msk [tilespmem:$0x180], $0xff;
	_ =	sdelay $0x4  }
0x99: {  	v3 =	vshll.u32 v2, $0x5  }
0x9a: {  	v2 =	vand.u32 $0x7, v2;
	v3 =	vand.u32 $0xFFFFFF00, v3  }
0x9b: {  	v2 =	vor.u32 v2, v3  }
0x9c: {  	v2 =	vperm.xlane v2, v0;
	_ =	sdelay $0x1  }
0x9d: {  	v2 =	vadd.s32 v1, v2;
	_ =	sdelay $0x4  }
0x9e: {  	[tilespmem:s30], [sflag:$0x2] =	stream.indirect_vreg.gather [hbm4b:s2+s3], $0x80, v2, vm0, $0xb8;
	[tilespmem:$0x10400] =	vst v63  }
0x9f: {  	s31 =	simm.s32 $0x8C00  }
0xa0: {  	[tilespmem:s31], [sflag:$0x2] =	stream.indirect_vreg.gather [hbm4b:s4+s3], $0x80, v2, vm0, $0xb8;
	[tilespmem:$0x10400] =	vst v63  }
0xa1: {  	s31 =	simm.s32 $0x9400  }
0xa2: {  	[tilespmem:s31], [sflag:$0x2] =	stream.indirect_vreg.gather [hbm4b:s5+s3], $0x80, v2, vm0, $0xb8;
	[tilespmem:$0x10400] =	vst v63  }
0xa3: {  	s23 =	simm.s32 $0x9C00  }
0xa4: {  	[tilespmem:s23], [sflag:$0x2] =	stream.indirect_vreg.gather [hbm4b:s6+s3], $0x80, v2, vm0, $0xb8;
	[tilespmem:$0x10400] =	vst v63  }
0xa5: {  	s23 =	simm.s32 $0xA400  }
0xa6: {  	[tilespmem:s23], [sflag:$0x2] =	stream.indirect_vreg.gather [hbm4b:s7+s3], $0x80, v2, vm0, $0xb8;
	[tilespmem:$0x10400] =	vst v63  }
0xa7: {  	s23 =	simm.s32 $0xAC00  }
0xa8: {  	[tilespmem:s23], [sflag:$0x2] =	stream.indirect_vreg.gather [hbm4b:s8+s3], $0x80, v2, vm0, $0xb8;
	[tilespmem:$0x10400] =	vst v63  }
0xa9: {  	s23 =	simm.s32 $0xB400  }
0xaa: {  	[tilespmem:s23], [sflag:$0x2] =	stream.indirect_vreg.gather [hbm4b:s9+s3], $0x80, v2, vm0, $0xb8;
	[tilespmem:$0x10400] =	vst v63  }
0xab: {  	s23 =	simm.s32 $0xBC00  }
0xac: {  	[tilespmem:s23], [sflag:$0x2] =	stream.indirect_vreg.gather [hbm4b:s10+s3], $0x80, v2, vm0, $0xb8;
	[tilespmem:$0x10400] =	vst v63  }
0xad: {  	s23 =	simm.s32 $0xC400  }
0xae: {  	[tilespmem:s23], [sflag:$0x2] =	stream.indirect_vreg.gather [hbm4b:s12+s3], $0x80, v2, vm0, $0xb8;
	[tilespmem:$0x10400] =	vst v63  }
0xaf: {  	s23 =	simm.s32 $0xCC00  }
0xb0: {  	[tilespmem:s23], [sflag:$0x2] =	stream.indirect_vreg.gather [hbm4b:s13+s3], $0x80, v2, vm0, $0xb8;
	[tilespmem:$0x10400] =	vst v63  }
0xb1: {  	s23 =	simm.s32 $0xD400  }
0xb2: {  	[tilespmem:s23], [sflag:$0x2] =	stream.indirect_vreg.gather [hbm4b:s14+s3], $0x80, v2, vm0, $0xb8;
	[tilespmem:$0x10400] =	vst v63  }
0xb3: {  	s23 =	simm.s32 $0xDC00  }
0xb4: {  	[tilespmem:s23], [sflag:$0x2] =	stream.indirect_vreg.gather [hbm4b:s15+s3], $0x80, v2, vm0, $0xb8;
	[tilespmem:$0x10400] =	vst v63  }
0xb5: {  	s23 =	simm.s32 $0xE400  }
0xb6: {  	[tilespmem:s23], [sflag:$0x2] =	stream.indirect_vreg.gather [hbm4b:s16+s3], $0x80, v2, vm0, $0xb8;
	[tilespmem:$0x10400] =	vst v63  }
0xb7: {  	s23 =	simm.s32 $0xEC00  }
0xb8: {  	[tilespmem:s23], [sflag:$0x2] =	stream.indirect_vreg.gather [hbm4b:s17+s3], $0x80, v2, vm0, $0xb8;
	[tilespmem:$0x10400] =	vst v63  }
0xb9: {  	s23 =	simm.s32 $0xF400  }
0xba: {  	[tilespmem:s23], [sflag:$0x2] =	stream.indirect_vreg.gather [hbm4b:s18+s3], $0x80, v2, vm0, $0xb8;
	[tilespmem:$0x10400] =	vst v63  }
0xbb: {  	s23 =	simm.s32 $0xFC00  }
0xbc: {  	[tilespmem:s23], [sflag:$0x2] =	stream.indirect_vreg.gather [hbm4b:s19+s3], $0x80, v2, vm0, $0xb8;
	[tilespmem:$0x10400] =	vst v63  }
0xbd: {  	_ =	swait.ge [sflag:s1], $0x8000  }
0xbe: {  	[sflag:s1] =	ssyncset.done $0x0  }
0xbf: {  	s23 =	rddreg [dreg:$0x6];
	[sflag:s1] =	ssyncadd.s32 $0xFFFF8000  }
0xc0: {  	[hbm4b:s23+s3] =	stream.linear.scatter [tilespmem:s24], [sflag:$0x3], $0x8000, $0x38;
	[tilespmem:$0x10400] =	vst v63  }
0xc1: {  	_ =	swait.ge [sflag:s0], $0x8000  }
0xc2: {  	[sflag:s0] =	ssyncset.done $0x0  }
0xc3: {  	[sflag:s0] =	ssyncadd.s32 $0xFFFF8000  }
0xc4: {  	v2 =	vld.msk [tilespmem:$0x200], $0xff;
	_ =	sdelay $0x4  }
0xc5: {  	v3 =	vshll.u32 v2, $0x5  }
0xc6: {  	v2 =	vand.u32 $0x7, v2;
	v3 =	vand.u32 $0xFFFFFF00, v3  }
0xc7: {  	v2 =	vor.u32 v2, v3  }
0xc8: {  	v2 =	vperm.xlane v2, v0;
	_ =	sdelay $0x1  }
0xc9: {  	v2 =	vadd.s32 v1, v2;
	_ =	sdelay $0x4  }
0xca: {  	[tilespmem:s24], [sflag:$0x1] =	stream.indirect_vreg.gather [hbm4b:s2+s3], $0x80, v2, vm0, $0xb8;
	[tilespmem:$0x10400] =	vst v63  }
0xcb: {  	_ = 	snop  }
0xcc: {  	[tilespmem:s22], [sflag:$0x1] =	stream.indirect_vreg.gather [hbm4b:s4+s3], $0x80, v2, vm0, $0xb8;
	[tilespmem:$0x10400] =	vst v63  }
0xcd: {  	_ = 	snop  }
0xce: {  	[tilespmem:s25], [sflag:$0x1] =	stream.indirect_vreg.gather [hbm4b:s5+s3], $0x80, v2, vm0, $0xb8;
	[tilespmem:$0x10400] =	vst v63  }
0xcf: {  	_ = 	snop  }
0xd0: {  	[tilespmem:s26], [sflag:$0x1] =	stream.indirect_vreg.gather [hbm4b:s6+s3], $0x80, v2, vm0, $0xb8;
	[tilespmem:$0x10400] =	vst v63  }
0xd1: {  	_ = 	snop  }
0xd2: {  	[tilespmem:s28], [sflag:$0x1] =	stream.indirect_vreg.gather [hbm4b:s7+s3], $0x80, v2, vm0, $0xb8;
	[tilespmem:$0x10400] =	vst v63  }
0xd3: {  	_ = 	snop  }
0xd4: {  	[tilespmem:s29], [sflag:$0x1] =	stream.indirect_vreg.gather [hbm4b:s8+s3], $0x80, v2, vm0, $0xb8;
	[tilespmem:$0x10400] =	vst v63  }
0xd5: {  	s23 =	simm.s32 $0x3400  }
0xd6: {  	[tilespmem:s23], [sflag:$0x1] =	stream.indirect_vreg.gather [hbm4b:s9+s3], $0x80, v2, vm0, $0xb8;
	[tilespmem:$0x10400] =	vst v63  }
0xd7: {  	s23 =	simm.s32 $0x3C00  }
0xd8: {  	[tilespmem:s23], [sflag:$0x1] =	stream.indirect_vreg.gather [hbm4b:s10+s3], $0x80, v2, vm0, $0xb8;
	[tilespmem:$0x10400] =	vst v63  }
0xd9: {  	s23 =	simm.s32 $0x4400  }
0xda: {  	[tilespmem:s23], [sflag:$0x1] =	stream.indirect_vreg.gather [hbm4b:s12+s3], $0x80, v2, vm0, $0xb8;
	[tilespmem:$0x10400] =	vst v63  }
0xdb: {  	s23 =	simm.s32 $0x4C00  }
0xdc: {  	[tilespmem:s23], [sflag:$0x1] =	stream.indirect_vreg.gather [hbm4b:s13+s3], $0x80, v2, vm0, $0xb8;
	[tilespmem:$0x10400] =	vst v63  }
0xdd: {  	s23 =	simm.s32 $0x5400  }
0xde: {  	[tilespmem:s23], [sflag:$0x1] =	stream.indirect_vreg.gather [hbm4b:s14+s3], $0x80, v2, vm0, $0xb8;
	[tilespmem:$0x10400] =	vst v63  }
0xdf: {  	s23 =	simm.s32 $0x5C00  }
0xe0: {  	[tilespmem:s23], [sflag:$0x1] =	stream.indirect_vreg.gather [hbm4b:s15+s3], $0x80, v2, vm0, $0xb8;
	[tilespmem:$0x10400] =	vst v63  }
0xe1: {  	s23 =	simm.s32 $0x6400  }
0xe2: {  	[tilespmem:s23], [sflag:$0x1] =	stream.indirect_vreg.gather [hbm4b:s16+s3], $0x80, v2, vm0, $0xb8;
	[tilespmem:$0x10400] =	vst v63  }
0xe3: {  	s23 =	simm.s32 $0x6C00  }
0xe4: {  	[tilespmem:s23], [sflag:$0x1] =	stream.indirect_vreg.gather [hbm4b:s17+s3], $0x80, v2, vm0, $0xb8;
	[tilespmem:$0x10400] =	vst v63  }
0xe5: {  	s23 =	simm.s32 $0x7400  }
0xe6: {  	[tilespmem:s23], [sflag:$0x1] =	stream.indirect_vreg.gather [hbm4b:s18+s3], $0x80, v2, vm0, $0xb8;
	[tilespmem:$0x10400] =	vst v63  }
0xe7: {  	s23 =	simm.s32 $0x7C00  }
0xe8: {  	[tilespmem:s23], [sflag:$0x1] =	stream.indirect_vreg.gather [hbm4b:s19+s3], $0x80, v2, vm0, $0xb8;
	[tilespmem:$0x10400] =	vst v63  }
0xe9: {  	_ =	swait.ge [sflag:s11], $0x8000  }
0xea: {  	[sflag:s11] =	ssyncset.done $0x0  }
0xeb: {  	s23 =	rddreg [dreg:$0x7];
	[sflag:s11] =	ssyncadd.s32 $0xFFFF8000  }
0xec: {  	[hbm4b:s23+s3] =	stream.linear.scatter [tilespmem:s30], [sflag:$0x4], $0x8000, $0x38;
	[tilespmem:$0x10400] =	vst v63  }
0xed: {  	_ =	swait.ge [sflag:s21], $0x8000  }
0xee: {  	[sflag:s21] =	ssyncset.done $0x0  }
0xef: {  	[sflag:s21] =	ssyncadd.s32 $0xFFFF8000  }
0xf0: {  	v2 =	vld.msk [tilespmem:$0x280], $0xff;
	_ =	sdelay $0x4  }
0xf1: {  	v3 =	vshll.u32 v2, $0x5  }
0xf2: {  	v2 =	vand.u32 $0x7, v2;
	v3 =	vand.u32 $0xFFFFFF00, v3  }
0xf3: {  	v2 =	vor.u32 v2, v3  }
0xf4: {  	v2 =	vperm.xlane v2, v0;
	_ =	sdelay $0x1  }
0xf5: {  	v2 =	vadd.s32 v1, v2;
	_ =	sdelay $0x4  }
0xf6: {  	[tilespmem:s30], [sflag:$0x2] =	stream.indirect_vreg.gather [hbm4b:s2+s3], $0x80, v2, vm0, $0xb8;
	[tilespmem:$0x10400] =	vst v63  }
0xf7: {  	s23 =	simm.s32 $0x8C00  }
0xf8: {  	[tilespmem:s23], [sflag:$0x2] =	stream.indirect_vreg.gather [hbm4b:s4+s3], $0x80, v2, vm0, $0xb8;
	[tilespmem:$0x10400] =	vst v63  }
0xf9: {  	s31 =	simm.s32 $0x9400  }
0xfa: {  	[tilespmem:s31], [sflag:$0x2] =	stream.indirect_vreg.gather [hbm4b:s5+s3], $0x80, v2, vm0, $0xb8;
	[tilespmem:$0x10400] =	vst v63  }
0xfb: {  	s23 =	simm.s32 $0x9C00  }
0xfc: {  	[tilespmem:s23], [sflag:$0x2] =	stream.indirect_vreg.gather [hbm4b:s6+s3], $0x80, v2, vm0, $0xb8;
	[tilespmem:$0x10400] =	vst v63  }
0xfd: {  	s23 =	simm.s32 $0xA400  }
0xfe: {  	[tilespmem:s23], [sflag:$0x2] =	stream.indirect_vreg.gather [hbm4b:s7+s3], $0x80, v2, vm0, $0xb8;
	[tilespmem:$0x10400] =	vst v63  }
0xff: {  	s23 =	simm.s32 $0xAC00  }
0x100: {  	[tilespmem:s23], [sflag:$0x2] =	stream.indirect_vreg.gather [hbm4b:s8+s3], $0x80, v2, vm0, $0xb8;
	[tilespmem:$0x10400] =	vst v63  }
0x101: {  	s23 =	simm.s32 $0xB400  }
0x102: {  	[tilespmem:s23], [sflag:$0x2] =	stream.indirect_vreg.gather [hbm4b:s9+s3], $0x80, v2, vm0, $0xb8;
	[tilespmem:$0x10400] =	vst v63  }
0x103: {  	s23 =	simm.s32 $0xBC00  }
0x104: {  	[tilespmem:s23], [sflag:$0x2] =	stream.indirect_vreg.gather [hbm4b:s10+s3], $0x80, v2, vm0, $0xb8;
	[tilespmem:$0x10400] =	vst v63  }
0x105: {  	s23 =	simm.s32 $0xC400  }
0x106: {  	[tilespmem:s23], [sflag:$0x2] =	stream.indirect_vreg.gather [hbm4b:s12+s3], $0x80, v2, vm0, $0xb8;
	[tilespmem:$0x10400] =	vst v63  }
0x107: {  	s23 =	simm.s32 $0xCC00  }
0x108: {  	[tilespmem:s23], [sflag:$0x2] =	stream.indirect_vreg.gather [hbm4b:s13+s3], $0x80, v2, vm0, $0xb8;
	[tilespmem:$0x10400] =	vst v63  }
0x109: {  	s23 =	simm.s32 $0xD400  }
0x10a: {  	[tilespmem:s23], [sflag:$0x2] =	stream.indirect_vreg.gather [hbm4b:s14+s3], $0x80, v2, vm0, $0xb8;
	[tilespmem:$0x10400] =	vst v63  }
0x10b: {  	s23 =	simm.s32 $0xDC00  }
0x10c: {  	[tilespmem:s23], [sflag:$0x2] =	stream.indirect_vreg.gather [hbm4b:s15+s3], $0x80, v2, vm0, $0xb8;
	[tilespmem:$0x10400] =	vst v63  }
0x10d: {  	s23 =	simm.s32 $0xE400  }
0x10e: {  	[tilespmem:s23], [sflag:$0x2] =	stream.indirect_vreg.gather [hbm4b:s16+s3], $0x80, v2, vm0, $0xb8;
	[tilespmem:$0x10400] =	vst v63  }
0x10f: {  	s23 =	simm.s32 $0xEC00  }
0x110: {  	[tilespmem:s23], [sflag:$0x2] =	stream.indirect_vreg.gather [hbm4b:s17+s3], $0x80, v2, vm0, $0xb8;
	[tilespmem:$0x10400] =	vst v63  }
0x111: {  	s23 =	simm.s32 $0xF400  }
0x112: {  	[tilespmem:s23], [sflag:$0x2] =	stream.indirect_vreg.gather [hbm4b:s18+s3], $0x80, v2, vm0, $0xb8;
	[tilespmem:$0x10400] =	vst v63  }
0x113: {  	s23 =	simm.s32 $0xFC00  }
0x114: {  	[tilespmem:s23], [sflag:$0x2] =	stream.indirect_vreg.gather [hbm4b:s19+s3], $0x80, v2, vm0, $0xb8;
	[tilespmem:$0x10400] =	vst v63  }
0x115: {  	_ =	swait.ge [sflag:s1], $0x8000  }
0x116: {  	[sflag:s1] =	ssyncset.done $0x0  }
0x117: {  	s23 =	rddreg [dreg:$0x8];
	[sflag:s1] =	ssyncadd.s32 $0xFFFF8000  }
0x118: {  	[hbm4b:s23+s3] =	stream.linear.scatter [tilespmem:s24], [sflag:$0x3], $0x8000, $0x38;
	[tilespmem:$0x10400] =	vst v63  }
0x119: {  	_ =	swait.ge [sflag:s0], $0x8000  }
0x11a: {  	[sflag:s0] =	ssyncset.done $0x0  }
0x11b: {  	[sflag:s0] =	ssyncadd.s32 $0xFFFF8000  }
0x11c: {  	v2 =	vld.msk [tilespmem:$0x300], $0xff;
	_ =	sdelay $0x4  }
0x11d: {  	v3 =	vshll.u32 v2, $0x5  }
0x11e: {  	v2 =	vand.u32 $0x7, v2;
	v3 =	vand.u32 $0xFFFFFF00, v3  }
0x11f: {  	v2 =	vor.u32 v2, v3  }
0x120: {  	v2 =	vperm.xlane v2, v0;
	_ =	sdelay $0x1  }
0x121: {  	v2 =	vadd.s32 v1, v2;
	_ =	sdelay $0x4  }
0x122: {  	[tilespmem:s24], [sflag:$0x1] =	stream.indirect_vreg.gather [hbm4b:s2+s3], $0x80, v2, vm0, $0xb8;
	[tilespmem:$0x10400] =	vst v63  }
0x123: {  	s22 =	simm.s32 $0xC00  }
0x124: {  	[tilespmem:s22], [sflag:$0x1] =	stream.indirect_vreg.gather [hbm4b:s4+s3], $0x80, v2, vm0, $0xb8;
	[tilespmem:$0x10400] =	vst v63  }
0x125: {  	s25 =	simm.s32 $0x1400  }
0x126: {  	[tilespmem:s25], [sflag:$0x1] =	stream.indirect_vreg.gather [hbm4b:s5+s3], $0x80, v2, vm0, $0xb8;
	[tilespmem:$0x10400] =	vst v63  }
0x127: {  	s26 =	simm.s32 $0x1C00  }
0x128: {  	[tilespmem:s26], [sflag:$0x1] =	stream.indirect_vreg.gather [hbm4b:s6+s3], $0x80, v2, vm0, $0xb8;
	[tilespmem:$0x10400] =	vst v63  }
0x129: {  	s28 =	simm.s32 $0x2400  }
0x12a: {  	[tilespmem:s28], [sflag:$0x1] =	stream.indirect_vreg.gather [hbm4b:s7+s3], $0x80, v2, vm0, $0xb8;
	[tilespmem:$0x10400] =	vst v63  }
0x12b: {  	s29 =	simm.s32 $0x2C00  }
0x12c: {  	[tilespmem:s29], [sflag:$0x1] =	stream.indirect_vreg.gather [hbm4b:s8+s3], $0x80, v2, vm0, $0xb8;
	[tilespmem:$0x10400] =	vst v63  }
0x12d: {  	s28 =	simm.s32 $0x3400  }
0x12e: {  	[tilespmem:s28], [sflag:$0x1] =	stream.indirect_vreg.gather [hbm4b:s9+s3], $0x80, v2, vm0, $0xb8;
	[tilespmem:$0x10400] =	vst v63  }
0x12f: {  	s29 =	simm.s32 $0x3C00  }
0x130: {  	[tilespmem:s29], [sflag:$0x1] =	stream.indirect_vreg.gather [hbm4b:s10+s3], $0x80, v2, vm0, $0xb8;
	[tilespmem:$0x10400] =	vst v63  }
0x131: {  	s23 =	simm.s32 $0x4400  }
0x132: {  	[tilespmem:s23], [sflag:$0x1] =	stream.indirect_vreg.gather [hbm4b:s12+s3], $0x80, v2, vm0, $0xb8;
	[tilespmem:$0x10400] =	vst v63  }
0x133: {  	s25 =	simm.s32 $0x4C00  }
0x134: {  	[tilespmem:s25], [sflag:$0x1] =	stream.indirect_vreg.gather [hbm4b:s13+s3], $0x80, v2, vm0, $0xb8;
	[tilespmem:$0x10400] =	vst v63  }
0x135: {  	s26 =	simm.s32 $0x5400  }
0x136: {  	[tilespmem:s26], [sflag:$0x1] =	stream.indirect_vreg.gather [hbm4b:s14+s3], $0x80, v2, vm0, $0xb8;
	[tilespmem:$0x10400] =	vst v63  }
0x137: {  	s28 =	simm.s32 $0x5C00  }
0x138: {  	[tilespmem:s28], [sflag:$0x1] =	stream.indirect_vreg.gather [hbm4b:s15+s3], $0x80, v2, vm0, $0xb8;
	[tilespmem:$0x10400] =	vst v63  }
0x139: {  	s29 =	simm.s32 $0x6400  }
0x13a: {  	[tilespmem:s29], [sflag:$0x1] =	stream.indirect_vreg.gather [hbm4b:s16+s3], $0x80, v2, vm0, $0xb8;
	[tilespmem:$0x10400] =	vst v63  }
0x13b: {  	s23 =	simm.s32 $0x6C00  }
0x13c: {  	[tilespmem:s23], [sflag:$0x1] =	stream.indirect_vreg.gather [hbm4b:s17+s3], $0x80, v2, vm0, $0xb8;
	[tilespmem:$0x10400] =	vst v63  }
0x13d: {  	s25 =	simm.s32 $0x7400  }
0x13e: {  	[tilespmem:s25], [sflag:$0x1] =	stream.indirect_vreg.gather [hbm4b:s18+s3], $0x80, v2, vm0, $0xb8;
	[tilespmem:$0x10400] =	vst v63  }
0x13f: {  	s26 =	simm.s32 $0x7C00  }
0x140: {  	[tilespmem:s26], [sflag:$0x1] =	stream.indirect_vreg.gather [hbm4b:s19+s3], $0x80, v2, vm0, $0xb8;
	[tilespmem:$0x10400] =	vst v63  }
0x141: {  	_ =	swait.ge [sflag:s11], $0x8000  }
0x142: {  	[sflag:s11] =	ssyncset.done $0x0  }
0x143: {  	s28 =	rddreg [dreg:$0x9];
	[sflag:s11] =	ssyncadd.s32 $0xFFFF8000  }
0x144: {  	[hbm4b:s28+s3] =	stream.linear.scatter [tilespmem:s30], [sflag:$0x4], $0x8000, $0x38;
	[tilespmem:$0x10400] =	vst v63  }
0x145: {  	_ =	swait.ge [sflag:s21], $0x8000  }
0x146: {  	[sflag:s21] =	ssyncset.done $0x0  }
0x147: {  	[sflag:s21] =	ssyncadd.s32 $0xFFFF8000  }
0x148: {  	v2 =	vld.msk [tilespmem:$0x380], $0xff;
	_ =	sdelay $0x4  }
0x149: {  	v3 =	vshll.u32 v2, $0x5  }
0x14a: {  	v2 =	vand.u32 $0x7, v2;
	v3 =	vand.u32 $0xFFFFFF00, v3  }
0x14b: {  	v2 =	vor.u32 v2, v3  }
0x14c: {  	v2 =	vperm.xlane v2, v0;
	_ =	sdelay $0x1  }
0x14d: {  	v2 =	vadd.s32 v1, v2;
	_ =	sdelay $0x4  }
0x14e: {  	[tilespmem:s30], [sflag:$0x2] =	stream.indirect_vreg.gather [hbm4b:s2+s3], $0x80, v2, vm0, $0xb8;
	[tilespmem:$0x10400] =	vst v63  }
0x14f: {  	s29 =	simm.s32 $0x8C00  }
0x150: {  	[tilespmem:s29], [sflag:$0x2] =	stream.indirect_vreg.gather [hbm4b:s4+s3], $0x80, v2, vm0, $0xb8;
	[tilespmem:$0x10400] =	vst v63  }
0x151: {  	s31 =	simm.s32 $0x9400  }
0x152: {  	[tilespmem:s31], [sflag:$0x2] =	stream.indirect_vreg.gather [hbm4b:s5+s3], $0x80, v2, vm0, $0xb8;
	[tilespmem:$0x10400] =	vst v63  }
0x153: {  	s31 =	simm.s32 $0x9C00  }
0x154: {  	[tilespmem:s31], [sflag:$0x2] =	stream.indirect_vreg.gather [hbm4b:s6+s3], $0x80, v2, vm0, $0xb8;
	[tilespmem:$0x10400] =	vst v63  }
0x155: {  	s22 =	simm.s32 $0xA400  }
0x156: {  	[tilespmem:s22], [sflag:$0x2] =	stream.indirect_vreg.gather [hbm4b:s7+s3], $0x80, v2, vm0, $0xb8;
	[tilespmem:$0x10400] =	vst v63  }
0x157: {  	s23 =	simm.s32 $0xAC00  }
0x158: {  	[tilespmem:s23], [sflag:$0x2] =	stream.indirect_vreg.gather [hbm4b:s8+s3], $0x80, v2, vm0, $0xb8;
	[tilespmem:$0x10400] =	vst v63  }
0x159: {  	s25 =	simm.s32 $0xB400  }
0x15a: {  	[tilespmem:s25], [sflag:$0x2] =	stream.indirect_vreg.gather [hbm4b:s9+s3], $0x80, v2, vm0, $0xb8;
	[tilespmem:$0x10400] =	vst v63  }
0x15b: {  	s26 =	simm.s32 $0xBC00  }
0x15c: {  	[tilespmem:s26], [sflag:$0x2] =	stream.indirect_vreg.gather [hbm4b:s10+s3], $0x80, v2, vm0, $0xb8;
	[tilespmem:$0x10400] =	vst v63  }
0x15d: {  	s28 =	simm.s32 $0xC400  }
0x15e: {  	[tilespmem:s28], [sflag:$0x2] =	stream.indirect_vreg.gather [hbm4b:s12+s3], $0x80, v2, vm0, $0xb8;
	[tilespmem:$0x10400] =	vst v63  }
0x15f: {  	s29 =	simm.s32 $0xCC00  }
0x160: {  	[tilespmem:s29], [sflag:$0x2] =	stream.indirect_vreg.gather [hbm4b:s13+s3], $0x80, v2, vm0, $0xb8;
	[tilespmem:$0x10400] =	vst v63  }
0x161: {  	s31 =	simm.s32 $0xD400  }
0x162: {  	[tilespmem:s31], [sflag:$0x2] =	stream.indirect_vreg.gather [hbm4b:s14+s3], $0x80, v2, vm0, $0xb8;
	[tilespmem:$0x10400] =	vst v63  }
0x163: {  	s22 =	simm.s32 $0xDC00  }
0x164: {  	[tilespmem:s22], [sflag:$0x2] =	stream.indirect_vreg.gather [hbm4b:s15+s3], $0x80, v2, vm0, $0xb8;
	[tilespmem:$0x10400] =	vst v63  }
0x165: {  	s23 =	simm.s32 $0xE400  }
0x166: {  	[tilespmem:s23], [sflag:$0x2] =	stream.indirect_vreg.gather [hbm4b:s16+s3], $0x80, v2, vm0, $0xb8;
	[tilespmem:$0x10400] =	vst v63  }
0x167: {  	s25 =	simm.s32 $0xEC00  }
0x168: {  	[tilespmem:s25], [sflag:$0x2] =	stream.indirect_vreg.gather [hbm4b:s17+s3], $0x80, v2, vm0, $0xb8;
	[tilespmem:$0x10400] =	vst v63  }
0x169: {  	s26 =	simm.s32 $0xF400  }
0x16a: {  	[tilespmem:s26], [sflag:$0x2] =	stream.indirect_vreg.gather [hbm4b:s18+s3], $0x80, v2, vm0, $0xb8;
	[tilespmem:$0x10400] =	vst v63  }
0x16b: {  	s28 =	simm.s32 $0xFC00  }
0x16c: {  	[tilespmem:s28], [sflag:$0x2] =	stream.indirect_vreg.gather [hbm4b:s19+s3], $0x80, v2, vm0, $0xb8;
	[tilespmem:$0x10400] =	vst v63  }
0x16d: {  	_ =	swait.ge [sflag:s1], $0x8000  }
0x16e: {  	[sflag:s1] =	ssyncset.done $0x0  }
0x16f: {  	s29 =	rddreg [dreg:$0xa];
	[sflag:s1] =	ssyncadd.s32 $0xFFFF8000  }
0x170: {  	[hbm4b:s29+s3] =	stream.linear.scatter [tilespmem:s24], [sflag:$0x3], $0x8000, $0x38;
	[tilespmem:$0x10400] =	vst v63  }
0x171: {  	_ =	swait.ge [sflag:s11], $0x8000  }
0x172: {  	[sflag:s11] =	ssyncset.done $0x0  }
0x173: {  	s31 =	rddreg [dreg:$0xb];
	[sflag:s11] =	ssyncadd.s32 $0xFFFF8000  }
0x174: {  	[hbm4b:s31+s3] =	stream.linear.scatter [tilespmem:s30], [sflag:$0x4], $0x8000, $0x38;
	[tilespmem:$0x10400] =	vst v63  }
0x175: {  	p0 =	sne.s32 s20, $0x1;
	_ =	swait.ge [sflag:s0], $0x8000  }
.Ltmp0:
0x176: {  	[sflag:s0] =	ssyncset.done $0x0;
	(pc) =	sbr.rel @p0 .LBB2_1-.Ltmp0, $4  }
0x177: {  	[sflag:s0] =	ssyncadd.s32 $0xFFFF8000  }
0x178: {  	_ =	swait.ge [sflag:s21], $0x8000  }
0x179: {  	[sflag:s21] =	ssyncset.done $0x0  }
0x17a: {  	s20 =	sadd.s32 $0xFFFFFFFF, s20;
	[sflag:s21] =	ssyncadd.s32 $0xFFFF8000  }
0x17b: {  	_ =	sfence.sel $0x180000  }
0x17c: {  	[bflag:$0x0] =	sbarrier.arrive $0xFFFF  }
0x17d: {  	_ =	strace $0x90000047  }
0x17e: {  	s0 =	stileid.u32;
	[bflag:$0x2] =	sbarrier.arrive $0xFFFF  }
0x17f: {  	p0 =	sne.s32 s0, $0x0;
	s0 =	rddreg [dreg:$0x3]  }
0x180: {  	s0 =	sadd.s32 @!p0 $0x100000, s0  }
0x181: {  	[sflag:s0] =	ssyncadd.tile.s32 @!p0 $0x1;
	_ =	shalt  }
.Lfunc_end2:
_tile_overlayer_lowered:
.L_overlay_start_2:
0x182: {  	(tag) =	ssettag $0x2  }
0x183: {  	s0 =	rddreg [dreg:$0x0];
	s2 =	stileid.u32  }
0x184: {  	s1 =	rddreg [dreg:$0x1];
	p0 =	sne.s32 s2, $0x0  }
0x185: {  	s3 =	rddreg [dreg:$0x2];
	[bflag:$0x3] =	sbarrier.arrive $0xFFFF;
	s2 =	simm.s32 @!p0 $0x1C05  }
0x186: {  	[timem:s3], [sflag:s2] =	dma.local @!p0 [hbm:s0], s1  }
0x187: {  	s0 =	simm.s32 @!p0 $0x5  }
0x188: {  	_ =	swait.ge @!p0 [sflag:s0], s1  }
0x189: {  	s1 =	ssub.s32 @!p0 $0x0, s1;
	[sflag:s0] =	ssyncset.done @!p0 $0x0  }
0x18a: {  	[sflag:s0] =	ssyncadd.s32 @!p0 s1  }
0x18b: {  	[bflag:$0x3] =	sbarrier.arrive $0xFFFF  }
0x18c: {  	_ =	shalt  }

</sc_bundles>
